<compile_context>
chip_gen: v7x
topology: tpu7x:2x2x1
jax: 0.10.2.dev20260603
libtpu: 0.0.44.dev20260713+nightly
codegen_flags: <defaults>
</compile_context>

<pallas_src>
import functools

import jax
import jax.numpy as jnp
from jax import lax
from jax.experimental import pallas as pl
from jax.experimental.pallas import tpu as pltpu
from jax.experimental.pallas import tpu_sc as plsc

MAX_LEN = 8192
HIDDEN = 2048
BATCH = 4
T_LEN = 4096
B_TOTAL = BATCH * T_LEN

_NC = 2
_NS = 16
_NW = _NC * _NS
_BPW = B_TOTAL // _NW
_C = 8
_NB = 4
_NCH = _BPW // _C


def _make_gather():
    mesh = plsc.VectorSubcoreMesh(core_axis_name="c", subcore_axis_name="s")

    @functools.partial(
        pl.kernel,
        mesh=mesh,
        out_type=jax.ShapeDtypeStruct((B_TOTAL, HIDDEN), jnp.float32),
        scratch_types=[
            pltpu.VMEM((_BPW,), jnp.int32),
            pltpu.VMEM((_NB, _C, HIDDEN), jnp.float32),
        ]
        + [pltpu.SemaphoreType.DMA] * (2 * _NB),
    )
    def gather_kernel(x_hbm, table_hbm, out_hbm, idx_v, rows_v, *sems):
        gsems = sems[:_NB]
        ssems = sems[_NB:]
        wid = lax.axis_index("s") * _NC + lax.axis_index("c")
        base = wid * _BPW
        pltpu.sync_copy(
            x_hbm.at[wid >> 3].at[pl.ds((wid & 7) * _BPW, _BPW)], idx_v
        )

        def g_src(g):
            return table_hbm.at[idx_v.at[pl.ds(g * _C, _C)]]

        def o_dst(g):
            return out_hbm.at[pl.ds(base + g * _C, _C)]

        def wait_gather(g, b):
            pltpu.make_async_copy(g_src(g), rows_v.at[b], gsems[b]).wait()

        def wait_out(g, b):
            pltpu.make_async_copy(rows_v.at[b], o_dst(g), ssems[b]).wait()

        for b in range(_NB - 1):
            pltpu.async_copy(g_src(b), rows_v.at[b], gsems[b])

        for b in range(_NB):
            g = b
            h = g + _NB - 1
            if g < _NB - 1:
                wait_gather(g, b)
                pltpu.async_copy(rows_v.at[b], o_dst(g), ssems[b])
            bh = h % _NB
            if h >= _NB:
                wait_out(h - _NB, bh)
            pltpu.async_copy(g_src(h), rows_v.at[bh], gsems[bh])
            if g == _NB - 1:
                wait_gather(g, b)
                pltpu.async_copy(rows_v.at[b], o_dst(g), ssems[b])

        def outer(j, carry):
            for b in range(_NB):
                g = j * _NB + b
                wait_gather(g, b)
                pltpu.async_copy(rows_v.at[b], o_dst(g), ssems[b])
                h = g + _NB - 1
                bh = (b + _NB - 1) % _NB
                wait_out(h - _NB, bh)
                pltpu.async_copy(g_src(h), rows_v.at[bh], gsems[bh])
            return carry

        lax.fori_loop(1, _NCH // _NB - 1, outer, 0)

        for b in range(_NB):
            g = _NCH - _NB + b
            wait_gather(g, b)
            pltpu.async_copy(rows_v.at[b], o_dst(g), ssems[b])
            if b == 0:
                h = _NCH - 1
                bh = h % _NB
                wait_out(h - _NB, bh)
                pltpu.async_copy(g_src(h), rows_v.at[bh], gsems[bh])
        for b in range(_NB):
            g = _NCH - _NB + b
            wait_out(g, b)

    return gather_kernel


_gather = _make_gather()


def kernel(x, weight):
    batch_size, t_length = x.shape
    out = _gather(x.astype(jnp.int32), weight)
    return out.reshape(batch_size, t_length, HIDDEN)

# --- scband reference (transcript-rebuilt; emitter-appended) ---
"""Pipeline reference for scband-positional-embedding-67757404062414 (READ-ONLY COPY).

The authoritative reference and input builder live on the scoring server;
editing this copy changes nothing except your own understanding.
"""

import jax, jax.numpy as jnp
import numpy as np

MAX_LEN = 8192
HIDDEN = 2048

def setup_inputs(seed: int = 0) -> dict:
    key = jax.random.key(seed)
    k1, k2 = jax.random.split(key)
    x = jax.random.randint(k1, (4, 4096), 0, MAX_LEN, dtype=jnp.int64)
    weight = jax.random.normal(k2, (MAX_LEN, HIDDEN), dtype=jnp.float32)
    return {"x": x, "weight": weight}

def reference(x, weight):
    batch_size, t_length = x.shape
    return jnp.take(weight, x.reshape(-1), axis=0).reshape(batch_size, t_length, -1)

if __name__ == "__main__":
    import jax
    _d = setup_inputs()
    print(jax.jit(kernel)(*tuple(_d.values())))

</pallas_src>

<mosaic_0001>
#map = affine_map<(d0, d1) -> (0, 0)>
module attributes {stable_mosaic.version = 14 : i64} {
  func.func @gather_kernel(%arg0: i32, %arg1: i32, %arg2: memref<4x4096xi32, #tpu.memory_space<hbm>>, %arg3: memref<8192x2048xf32, #tpu.memory_space<hbm>>, %arg4: memref<16384x2048xf32, #tpu.memory_space<hbm>>, %arg5: memref<512xi32, #tpu.memory_space<vmem>>, %arg6: memref<4x8x2048xf32, #tpu.memory_space<vmem>>, %arg7: memref<!tpu.dma_semaphore, #tpu.memory_space<semaphore_mem>>, %arg8: memref<!tpu.dma_semaphore, #tpu.memory_space<semaphore_mem>>, %arg9: memref<!tpu.dma_semaphore, #tpu.memory_space<semaphore_mem>>, %arg10: memref<!tpu.dma_semaphore, #tpu.memory_space<semaphore_mem>>, %arg11: memref<!tpu.dma_semaphore, #tpu.memory_space<semaphore_mem>>, %arg12: memref<!tpu.dma_semaphore, #tpu.memory_space<semaphore_mem>>, %arg13: memref<!tpu.dma_semaphore, #tpu.memory_space<semaphore_mem>>, %arg14: memref<!tpu.dma_semaphore, #tpu.memory_space<semaphore_mem>>) attributes {dimension_semantics = [#tpu.dimension_semantics<core_parallel>, #tpu.dimension_semantics<subcore_parallel>], iteration_bounds = array<i64: 2, 16>, scalar_prefetch = 0 : i64, scratch_operands = 10 : i64, tpu.core_type = #tpu.core_type<sc_vector_subcore>, window_params = [{transform_indices = #map}, {transform_indices = #map}, {transform_indices = #map}]} {
    %mul3A = arith.constant 2 : i32
    %mul3A_0 = arith.muli %arg1, %mul3A : i32
    %add3A = arith.addi %mul3A_0, %arg0 : i32
    %mul3A_1 = arith.constant 512 : i32
    %mul3A_2 = arith.muli %add3A, %mul3A_1 : i32
    %shift_right_arithmetic3A = arith.constant 3 : i32
    %shift_right_arithmetic3A_3 = arith.shrsi %add3A, %shift_right_arithmetic3A : i32
    %and3A = arith.constant 7 : i32
    %and3A_4 = arith.andi %add3A, %and3A : i32
    %mul3A_5 = arith.constant 512 : i32
    %mul3A_6 = arith.muli %and3A_4, %mul3A_5 : i32
    "tpu.region"() ({
      %run_scoped3A = tpu.sem_alloc : memref<!tpu.dma_semaphore, #tpu.memory_space<semaphore_mem>>
      %dma_start3A_410 = arith.constant 0 : i32
      %dma_start3A_411 = tpu.memref_slice %arg2[%shift_right_arithmetic3A_3, %dma_start3A_410] : memref<4x4096xi32, #tpu.memory_space<hbm>> -> memref<1x4096xi32, #tpu.memory_space<hbm>>
      %dma_start3A_412 = tpu.memref_squeeze %dma_start3A_411 : memref<1x4096xi32, #tpu.memory_space<hbm>> -> memref<4096xi32, #tpu.memory_space<hbm>>
      %dma_start3A_413 = tpu.memref_slice %dma_start3A_412[%mul3A_6] : memref<4096xi32, #tpu.memory_space<hbm>> -> memref<512xi32, #tpu.memory_space<hbm>>
      %dma_start3A_414 = arith.constant 0 : i32
      %dma_start3A_415 = tpu.memref_slice %arg2[%shift_right_arithmetic3A_3, %dma_start3A_414] : memref<4x4096xi32, #tpu.memory_space<hbm>> -> memref<1x4096xi32, #tpu.memory_space<hbm>>
      %dma_start3A_416 = tpu.memref_squeeze %dma_start3A_415 : memref<1x4096xi32, #tpu.memory_space<hbm>> -> memref<4096xi32, #tpu.memory_space<hbm>>
      %dma_start3A_417 = tpu.memref_slice %dma_start3A_416[%mul3A_6] : memref<4096xi32, #tpu.memory_space<hbm>> -> memref<512xi32, #tpu.memory_space<hbm>>
      tpu.enqueue_dma source(%dma_start3A_417 : memref<512xi32, #tpu.memory_space<hbm>>) target(%arg5 : memref<512xi32, #tpu.memory_space<vmem>>) target_semaphore(%run_scoped3A : memref<!tpu.dma_semaphore, #tpu.memory_space<semaphore_mem>>)
      %dma_wait3A_418 = arith.constant 0 : i32
      %dma_wait3A_419 = tpu.memref_slice %arg2[%shift_right_arithmetic3A_3, %dma_wait3A_418] : memref<4x4096xi32, #tpu.memory_space<hbm>> -> memref<1x4096xi32, #tpu.memory_space<hbm>>
      %dma_wait3A_420 = tpu.memref_squeeze %dma_wait3A_419 : memref<1x4096xi32, #tpu.memory_space<hbm>> -> memref<4096xi32, #tpu.memory_space<hbm>>
      %dma_wait3A_421 = tpu.memref_slice %dma_wait3A_420[%mul3A_6] : memref<4096xi32, #tpu.memory_space<hbm>> -> memref<512xi32, #tpu.memory_space<hbm>>
      %dma_wait3A_422 = arith.constant 0 : i32
      %dma_wait3A_423 = tpu.memref_slice %arg2[%shift_right_arithmetic3A_3, %dma_wait3A_422] : memref<4x4096xi32, #tpu.memory_space<hbm>> -> memref<1x4096xi32, #tpu.memory_space<hbm>>
      %dma_wait3A_424 = tpu.memref_squeeze %dma_wait3A_423 : memref<1x4096xi32, #tpu.memory_space<hbm>> -> memref<4096xi32, #tpu.memory_space<hbm>>
      %dma_wait3A_425 = tpu.memref_slice %dma_wait3A_424[%mul3A_6] : memref<4096xi32, #tpu.memory_space<hbm>> -> memref<512xi32, #tpu.memory_space<hbm>>
      tpu.wait_dma2 semaphore(%run_scoped3A : memref<!tpu.dma_semaphore, #tpu.memory_space<semaphore_mem>>) src(%dma_wait3A_425 : memref<512xi32, #tpu.memory_space<hbm>>) dst(%arg5 : memref<512xi32, #tpu.memory_space<vmem>>)
      tpu.yield
    }) : () -> ()
    %dma_start3A = arith.constant 0 : i32
    %dma_start3A_7 = arith.constant 0 : i32
    %dma_start3A_8 = arith.constant 0 : i32
    %dma_start3A_9 = tpu.memref_slice %arg6[%dma_start3A, %dma_start3A_7, %dma_start3A_8] : memref<4x8x2048xf32, #tpu.memory_space<vmem>> -> memref<1x8x2048xf32, #tpu.memory_space<vmem>>
    %dma_start3A_10 = tpu.memref_squeeze %dma_start3A_9 : memref<1x8x2048xf32, #tpu.memory_space<vmem>> -> memref<8x2048xf32, #tpu.memory_space<vmem>>
    %dma_start3A_11 = arith.constant 0 : i32
    %dma_start3A_12 = tpu.memref_slice %arg5[%dma_start3A_11] : memref<512xi32, #tpu.memory_space<vmem>> -> memref<8xi32, #tpu.memory_space<vmem>>
    %dma_start3A_13 = arith.constant 0 : i32
    %dma_start3A_14 = arith.constant 0 : i32
    %dma_start3A_15 = tpu.memref_slice %arg3[%dma_start3A_13, %dma_start3A_14] : memref<8192x2048xf32, #tpu.memory_space<hbm>> -> memref<8192x2048xf32, #tpu.memory_space<hbm>>
    tpu.enqueue_indirect_dma source(%dma_start3A_15 : memref<8192x2048xf32, #tpu.memory_space<hbm>>) target(%dma_start3A_10 : memref<8x2048xf32, #tpu.memory_space<vmem>>) offsets(%dma_start3A_12 : memref<8xi32, #tpu.memory_space<vmem>>) semaphore(%arg7 : memref<!tpu.dma_semaphore, #tpu.memory_space<semaphore_mem>>)
    %dma_start3A_16 = arith.constant 1 : i32
    %dma_start3A_17 = arith.constant 0 : i32
    %dma_start3A_18 = arith.constant 0 : i32
    %dma_start3A_19 = tpu.memref_slice %arg6[%dma_start3A_16, %dma_start3A_17, %dma_start3A_18] : memref<4x8x2048xf32, #tpu.memory_space<vmem>> -> memref<1x8x2048xf32, #tpu.memory_space<vmem>>
    %dma_start3A_20 = tpu.memref_squeeze %dma_start3A_19 : memref<1x8x2048xf32, #tpu.memory_space<vmem>> -> memref<8x2048xf32, #tpu.memory_space<vmem>>
    %dma_start3A_21 = arith.constant 8 : i32
    %dma_start3A_22 = tpu.memref_slice %arg5[%dma_start3A_21] : memref<512xi32, #tpu.memory_space<vmem>> -> memref<8xi32, #tpu.memory_space<vmem>>
    %dma_start3A_23 = arith.constant 0 : i32
    %dma_start3A_24 = arith.constant 0 : i32
    %dma_start3A_25 = tpu.memref_slice %arg3[%dma_start3A_23, %dma_start3A_24] : memref<8192x2048xf32, #tpu.memory_space<hbm>> -> memref<8192x2048xf32, #tpu.memory_space<hbm>>
    tpu.enqueue_indirect_dma source(%dma_start3A_25 : memref<8192x2048xf32, #tpu.memory_space<hbm>>) target(%dma_start3A_20 : memref<8x2048xf32, #tpu.memory_space<vmem>>) offsets(%dma_start3A_22 : memref<8xi32, #tpu.memory_space<vmem>>) semaphore(%arg8 : memref<!tpu.dma_semaphore, #tpu.memory_space<semaphore_mem>>)
    %dma_start3A_26 = arith.constant 2 : i32
    %dma_start3A_27 = arith.constant 0 : i32
    %dma_start3A_28 = arith.constant 0 : i32
    %dma_start3A_29 = tpu.memref_slice %arg6[%dma_start3A_26, %dma_start3A_27, %dma_start3A_28] : memref<4x8x2048xf32, #tpu.memory_space<vmem>> -> memref<1x8x2048xf32, #tpu.memory_space<vmem>>
    %dma_start3A_30 = tpu.memref_squeeze %dma_start3A_29 : memref<1x8x2048xf32, #tpu.memory_space<vmem>> -> memref<8x2048xf32, #tpu.memory_space<vmem>>
    %dma_start3A_31 = arith.constant 16 : i32
    %dma_start3A_32 = tpu.memref_slice %arg5[%dma_start3A_31] : memref<512xi32, #tpu.memory_space<vmem>> -> memref<8xi32, #tpu.memory_space<vmem>>
    %dma_start3A_33 = arith.constant 0 : i32
    %dma_start3A_34 = arith.constant 0 : i32
    %dma_start3A_35 = tpu.memref_slice %arg3[%dma_start3A_33, %dma_start3A_34] : memref<8192x2048xf32, #tpu.memory_space<hbm>> -> memref<8192x2048xf32, #tpu.memory_space<hbm>>
    tpu.enqueue_indirect_dma source(%dma_start3A_35 : memref<8192x2048xf32, #tpu.memory_space<hbm>>) target(%dma_start3A_30 : memref<8x2048xf32, #tpu.memory_space<vmem>>) offsets(%dma_start3A_32 : memref<8xi32, #tpu.memory_space<vmem>>) semaphore(%arg9 : memref<!tpu.dma_semaphore, #tpu.memory_space<semaphore_mem>>)
    %dma_wait3A = arith.constant 0 : i32
    %dma_wait3A_36 = arith.constant 0 : i32
    %dma_wait3A_37 = arith.constant 0 : i32
    %dma_wait3A_38 = tpu.memref_slice %arg6[%dma_wait3A, %dma_wait3A_36, %dma_wait3A_37] : memref<4x8x2048xf32, #tpu.memory_space<vmem>> -> memref<1x8x2048xf32, #tpu.memory_space<vmem>>
    %dma_wait3A_39 = tpu.memref_squeeze %dma_wait3A_38 : memref<1x8x2048xf32, #tpu.memory_space<vmem>> -> memref<8x2048xf32, #tpu.memory_space<vmem>>
    %dma_wait3A_40 = arith.constant 0 : i32
    %dma_wait3A_41 = tpu.memref_slice %arg5[%dma_wait3A_40] : memref<512xi32, #tpu.memory_space<vmem>> -> memref<8xi32, #tpu.memory_space<vmem>>
    %dma_wait3A_42 = arith.constant 0 : i32
    %dma_wait3A_43 = arith.constant 0 : i32
    %dma_wait3A_44 = tpu.memref_slice %arg3[%dma_wait3A_42, %dma_wait3A_43] : memref<8192x2048xf32, #tpu.memory_space<hbm>> -> memref<8192x2048xf32, #tpu.memory_space<hbm>>
    tpu.wait_indirect_dma semaphore(%arg7 : memref<!tpu.dma_semaphore, #tpu.memory_space<semaphore_mem>>) src(%dma_wait3A_44 : memref<8192x2048xf32, #tpu.memory_space<hbm>>) dst(%dma_wait3A_39 : memref<8x2048xf32, #tpu.memory_space<vmem>>)
    %add3A_45 = arith.constant 0 : i32
    %add3A_46 = arith.addi %mul3A_2, %add3A_45 : i32
    %dma_start3A_47 = arith.constant 0 : i32
    %dma_start3A_48 = arith.constant 0 : i32
    %dma_start3A_49 = arith.constant 0 : i32
    %dma_start3A_50 = tpu.memref_slice %arg6[%dma_start3A_47, %dma_start3A_48, %dma_start3A_49] : memref<4x8x2048xf32, #tpu.memory_space<vmem>> -> memref<1x8x2048xf32, #tpu.memory_space<vmem>>
    %dma_start3A_51 = tpu.memref_squeeze %dma_start3A_50 : memref<1x8x2048xf32, #tpu.memory_space<vmem>> -> memref<8x2048xf32, #tpu.memory_space<vmem>>
    %dma_start3A_52 = arith.constant 0 : i32
    %dma_start3A_53 = tpu.memref_slice %arg4[%add3A_46, %dma_start3A_52] : memref<16384x2048xf32, #tpu.memory_space<hbm>> -> memref<8x2048xf32, #tpu.memory_space<hbm>>
    %dma_start3A_54 = arith.constant 0 : i32
    %dma_start3A_55 = tpu.memref_slice %arg4[%add3A_46, %dma_start3A_54] : memref<16384x2048xf32, #tpu.memory_space<hbm>> -> memref<8x2048xf32, #tpu.memory_space<hbm>>
    %dma_start3A_56 = arith.constant 0 : i32
    %dma_start3A_57 = arith.constant 0 : i32
    %dma_start3A_58 = tpu.memref_slice %arg6[%dma_start3A_47, %dma_start3A_56, %dma_start3A_57] : memref<4x8x2048xf32, #tpu.memory_space<vmem>> -> memref<1x8x2048xf32, #tpu.memory_space<vmem>>
    %dma_start3A_59 = tpu.memref_squeeze %dma_start3A_58 : memref<1x8x2048xf32, #tpu.memory_space<vmem>> -> memref<8x2048xf32, #tpu.memory_space<vmem>>
    tpu.enqueue_dma source(%dma_start3A_59 : memref<8x2048xf32, #tpu.memory_space<vmem>>) target(%dma_start3A_55 : memref<8x2048xf32, #tpu.memory_space<hbm>>) target_semaphore(%arg11 : memref<!tpu.dma_semaphore, #tpu.memory_space<semaphore_mem>>)
    %dma_start3A_60 = arith.constant 3 : i32
    %dma_start3A_61 = arith.constant 0 : i32
    %dma_start3A_62 = arith.constant 0 : i32
    %dma_start3A_63 = tpu.memref_slice %arg6[%dma_start3A_60, %dma_start3A_61, %dma_start3A_62] : memref<4x8x2048xf32, #tpu.memory_space<vmem>> -> memref<1x8x2048xf32, #tpu.memory_space<vmem>>
    %dma_start3A_64 = tpu.memref_squeeze %dma_start3A_63 : memref<1x8x2048xf32, #tpu.memory_space<vmem>> -> memref<8x2048xf32, #tpu.memory_space<vmem>>
    %dma_start3A_65 = arith.constant 24 : i32
    %dma_start3A_66 = tpu.memref_slice %arg5[%dma_start3A_65] : memref<512xi32, #tpu.memory_space<vmem>> -> memref<8xi32, #tpu.memory_space<vmem>>
    %dma_start3A_67 = arith.constant 0 : i32
    %dma_start3A_68 = arith.constant 0 : i32
    %dma_start3A_69 = tpu.memref_slice %arg3[%dma_start3A_67, %dma_start3A_68] : memref<8192x2048xf32, #tpu.memory_space<hbm>> -> memref<8192x2048xf32, #tpu.memory_space<hbm>>
    tpu.enqueue_indirect_dma source(%dma_start3A_69 : memref<8192x2048xf32, #tpu.memory_space<hbm>>) target(%dma_start3A_64 : memref<8x2048xf32, #tpu.memory_space<vmem>>) offsets(%dma_start3A_66 : memref<8xi32, #tpu.memory_space<vmem>>) semaphore(%arg10 : memref<!tpu.dma_semaphore, #tpu.memory_space<semaphore_mem>>)
    %dma_wait3A_70 = arith.constant 1 : i32
    %dma_wait3A_71 = arith.constant 0 : i32
    %dma_wait3A_72 = arith.constant 0 : i32
    %dma_wait3A_73 = tpu.memref_slice %arg6[%dma_wait3A_70, %dma_wait3A_71, %dma_wait3A_72] : memref<4x8x2048xf32, #tpu.memory_space<vmem>> -> memref<1x8x2048xf32, #tpu.memory_space<vmem>>
    %dma_wait3A_74 = tpu.memref_squeeze %dma_wait3A_73 : memref<1x8x2048xf32, #tpu.memory_space<vmem>> -> memref<8x2048xf32, #tpu.memory_space<vmem>>
    %dma_wait3A_75 = arith.constant 8 : i32
    %dma_wait3A_76 = tpu.memref_slice %arg5[%dma_wait3A_75] : memref<512xi32, #tpu.memory_space<vmem>> -> memref<8xi32, #tpu.memory_space<vmem>>
    %dma_wait3A_77 = arith.constant 0 : i32
    %dma_wait3A_78 = arith.constant 0 : i32
    %dma_wait3A_79 = tpu.memref_slice %arg3[%dma_wait3A_77, %dma_wait3A_78] : memref<8192x2048xf32, #tpu.memory_space<hbm>> -> memref<8192x2048xf32, #tpu.memory_space<hbm>>
    tpu.wait_indirect_dma semaphore(%arg8 : memref<!tpu.dma_semaphore, #tpu.memory_space<semaphore_mem>>) src(%dma_wait3A_79 : memref<8192x2048xf32, #tpu.memory_space<hbm>>) dst(%dma_wait3A_74 : memref<8x2048xf32, #tpu.memory_space<vmem>>)
    %add3A_80 = arith.constant 8 : i32
    %add3A_81 = arith.addi %mul3A_2, %add3A_80 : i32
    %dma_start3A_82 = arith.constant 1 : i32
    %dma_start3A_83 = arith.constant 0 : i32
    %dma_start3A_84 = arith.constant 0 : i32
    %dma_start3A_85 = tpu.memref_slice %arg6[%dma_start3A_82, %dma_start3A_83, %dma_start3A_84] : memref<4x8x2048xf32, #tpu.memory_space<vmem>> -> memref<1x8x2048xf32, #tpu.memory_space<vmem>>
    %dma_start3A_86 = tpu.memref_squeeze %dma_start3A_85 : memref<1x8x2048xf32, #tpu.memory_space<vmem>> -> memref<8x2048xf32, #tpu.memory_space<vmem>>
    %dma_start3A_87 = arith.constant 0 : i32
    %dma_start3A_88 = tpu.memref_slice %arg4[%add3A_81, %dma_start3A_87] : memref<16384x2048xf32, #tpu.memory_space<hbm>> -> memref<8x2048xf32, #tpu.memory_space<hbm>>
    %dma_start3A_89 = arith.constant 0 : i32
    %dma_start3A_90 = tpu.memref_slice %arg4[%add3A_81, %dma_start3A_89] : memref<16384x2048xf32, #tpu.memory_space<hbm>> -> memref<8x2048xf32, #tpu.memory_space<hbm>>
    %dma_start3A_91 = arith.constant 0 : i32
    %dma_start3A_92 = arith.constant 0 : i32
    %dma_start3A_93 = tpu.memref_slice %arg6[%dma_start3A_82, %dma_start3A_91, %dma_start3A_92] : memref<4x8x2048xf32, #tpu.memory_space<vmem>> -> memref<1x8x2048xf32, #tpu.memory_space<vmem>>
    %dma_start3A_94 = tpu.memref_squeeze %dma_start3A_93 : memref<1x8x2048xf32, #tpu.memory_space<vmem>> -> memref<8x2048xf32, #tpu.memory_space<vmem>>
    tpu.enqueue_dma source(%dma_start3A_94 : memref<8x2048xf32, #tpu.memory_space<vmem>>) target(%dma_start3A_90 : memref<8x2048xf32, #tpu.memory_space<hbm>>) target_semaphore(%arg12 : memref<!tpu.dma_semaphore, #tpu.memory_space<semaphore_mem>>)
    %add3A_95 = arith.constant 0 : i32
    %add3A_96 = arith.addi %mul3A_2, %add3A_95 : i32
    %dma_wait3A_97 = arith.constant 0 : i32
    %dma_wait3A_98 = arith.constant 0 : i32
    %dma_wait3A_99 = arith.constant 0 : i32
    %dma_wait3A_100 = tpu.memref_slice %arg6[%dma_wait3A_97, %dma_wait3A_98, %dma_wait3A_99] : memref<4x8x2048xf32, #tpu.memory_space<vmem>> -> memref<1x8x2048xf32, #tpu.memory_space<vmem>>
    %dma_wait3A_101 = tpu.memref_squeeze %dma_wait3A_100 : memref<1x8x2048xf32, #tpu.memory_space<vmem>> -> memref<8x2048xf32, #tpu.memory_space<vmem>>
    %dma_wait3A_102 = arith.constant 0 : i32
    %dma_wait3A_103 = tpu.memref_slice %arg4[%add3A_96, %dma_wait3A_102] : memref<16384x2048xf32, #tpu.memory_space<hbm>> -> memref<8x2048xf32, #tpu.memory_space<hbm>>
    %dma_wait3A_104 = arith.constant 0 : i32
    %dma_wait3A_105 = tpu.memref_slice %arg4[%add3A_96, %dma_wait3A_104] : memref<16384x2048xf32, #tpu.memory_space<hbm>> -> memref<8x2048xf32, #tpu.memory_space<hbm>>
    %dma_wait3A_106 = arith.constant 0 : i32
    %dma_wait3A_107 = arith.constant 0 : i32
    %dma_wait3A_108 = tpu.memref_slice %arg6[%dma_wait3A_97, %dma_wait3A_106, %dma_wait3A_107] : memref<4x8x2048xf32, #tpu.memory_space<vmem>> -> memref<1x8x2048xf32, #tpu.memory_space<vmem>>
    %dma_wait3A_109 = tpu.memref_squeeze %dma_wait3A_108 : memref<1x8x2048xf32, #tpu.memory_space<vmem>> -> memref<8x2048xf32, #tpu.memory_space<vmem>>
    tpu.wait_dma2 semaphore(%arg11 : memref<!tpu.dma_semaphore, #tpu.memory_space<semaphore_mem>>) src(%dma_wait3A_109 : memref<8x2048xf32, #tpu.memory_space<vmem>>) dst(%dma_wait3A_105 : memref<8x2048xf32, #tpu.memory_space<hbm>>)
    %dma_start3A_110 = arith.constant 0 : i32
    %dma_start3A_111 = arith.constant 0 : i32
    %dma_start3A_112 = arith.constant 0 : i32
    %dma_start3A_113 = tpu.memref_slice %arg6[%dma_start3A_110, %dma_start3A_111, %dma_start3A_112] : memref<4x8x2048xf32, #tpu.memory_space<vmem>> -> memref<1x8x2048xf32, #tpu.memory_space<vmem>>
    %dma_start3A_114 = tpu.memref_squeeze %dma_start3A_113 : memref<1x8x2048xf32, #tpu.memory_space<vmem>> -> memref<8x2048xf32, #tpu.memory_space<vmem>>
    %dma_start3A_115 = arith.constant 32 : i32
    %dma_start3A_116 = tpu.memref_slice %arg5[%dma_start3A_115] : memref<512xi32, #tpu.memory_space<vmem>> -> memref<8xi32, #tpu.memory_space<vmem>>
    %dma_start3A_117 = arith.constant 0 : i32
    %dma_start3A_118 = arith.constant 0 : i32
    %dma_start3A_119 = tpu.memref_slice %arg3[%dma_start3A_117, %dma_start3A_118] : memref<8192x2048xf32, #tpu.memory_space<hbm>> -> memref<8192x2048xf32, #tpu.memory_space<hbm>>
    tpu.enqueue_indirect_dma source(%dma_start3A_119 : memref<8192x2048xf32, #tpu.memory_space<hbm>>) target(%dma_start3A_114 : memref<8x2048xf32, #tpu.memory_space<vmem>>) offsets(%dma_start3A_116 : memref<8xi32, #tpu.memory_space<vmem>>) semaphore(%arg7 : memref<!tpu.dma_semaphore, #tpu.memory_space<semaphore_mem>>)
    %dma_wait3A_120 = arith.constant 2 : i32
    %dma_wait3A_121 = arith.constant 0 : i32
    %dma_wait3A_122 = arith.constant 0 : i32
    %dma_wait3A_123 = tpu.memref_slice %arg6[%dma_wait3A_120, %dma_wait3A_121, %dma_wait3A_122] : memref<4x8x2048xf32, #tpu.memory_space<vmem>> -> memref<1x8x2048xf32, #tpu.memory_space<vmem>>
    %dma_wait3A_124 = tpu.memref_squeeze %dma_wait3A_123 : memref<1x8x2048xf32, #tpu.memory_space<vmem>> -> memref<8x2048xf32, #tpu.memory_space<vmem>>
    %dma_wait3A_125 = arith.constant 16 : i32
    %dma_wait3A_126 = tpu.memref_slice %arg5[%dma_wait3A_125] : memref<512xi32, #tpu.memory_space<vmem>> -> memref<8xi32, #tpu.memory_space<vmem>>
    %dma_wait3A_127 = arith.constant 0 : i32
    %dma_wait3A_128 = arith.constant 0 : i32
    %dma_wait3A_129 = tpu.memref_slice %arg3[%dma_wait3A_127, %dma_wait3A_128] : memref<8192x2048xf32, #tpu.memory_space<hbm>> -> memref<8192x2048xf32, #tpu.memory_space<hbm>>
    tpu.wait_indirect_dma semaphore(%arg9 : memref<!tpu.dma_semaphore, #tpu.memory_space<semaphore_mem>>) src(%dma_wait3A_129 : memref<8192x2048xf32, #tpu.memory_space<hbm>>) dst(%dma_wait3A_124 : memref<8x2048xf32, #tpu.memory_space<vmem>>)
    %add3A_130 = arith.constant 16 : i32
    %add3A_131 = arith.addi %mul3A_2, %add3A_130 : i32
    %dma_start3A_132 = arith.constant 2 : i32
    %dma_start3A_133 = arith.constant 0 : i32
    %dma_start3A_134 = arith.constant 0 : i32
    %dma_start3A_135 = tpu.memref_slice %arg6[%dma_start3A_132, %dma_start3A_133, %dma_start3A_134] : memref<4x8x2048xf32, #tpu.memory_space<vmem>> -> memref<1x8x2048xf32, #tpu.memory_space<vmem>>
    %dma_start3A_136 = tpu.memref_squeeze %dma_start3A_135 : memref<1x8x2048xf32, #tpu.memory_space<vmem>> -> memref<8x2048xf32, #tpu.memory_space<vmem>>
    %dma_start3A_137 = arith.constant 0 : i32
    %dma_start3A_138 = tpu.memref_slice %arg4[%add3A_131, %dma_start3A_137] : memref<16384x2048xf32, #tpu.memory_space<hbm>> -> memref<8x2048xf32, #tpu.memory_space<hbm>>
    %dma_start3A_139 = arith.constant 0 : i32
    %dma_start3A_140 = tpu.memref_slice %arg4[%add3A_131, %dma_start3A_139] : memref<16384x2048xf32, #tpu.memory_space<hbm>> -> memref<8x2048xf32, #tpu.memory_space<hbm>>
    %dma_start3A_141 = arith.constant 0 : i32
    %dma_start3A_142 = arith.constant 0 : i32
    %dma_start3A_143 = tpu.memref_slice %arg6[%dma_start3A_132, %dma_start3A_141, %dma_start3A_142] : memref<4x8x2048xf32, #tpu.memory_space<vmem>> -> memref<1x8x2048xf32, #tpu.memory_space<vmem>>
    %dma_start3A_144 = tpu.memref_squeeze %dma_start3A_143 : memref<1x8x2048xf32, #tpu.memory_space<vmem>> -> memref<8x2048xf32, #tpu.memory_space<vmem>>
    tpu.enqueue_dma source(%dma_start3A_144 : memref<8x2048xf32, #tpu.memory_space<vmem>>) target(%dma_start3A_140 : memref<8x2048xf32, #tpu.memory_space<hbm>>) target_semaphore(%arg13 : memref<!tpu.dma_semaphore, #tpu.memory_space<semaphore_mem>>)
    %add3A_145 = arith.constant 8 : i32
    %add3A_146 = arith.addi %mul3A_2, %add3A_145 : i32
    %dma_wait3A_147 = arith.constant 1 : i32
    %dma_wait3A_148 = arith.constant 0 : i32
    %dma_wait3A_149 = arith.constant 0 : i32
    %dma_wait3A_150 = tpu.memref_slice %arg6[%dma_wait3A_147, %dma_wait3A_148, %dma_wait3A_149] : memref<4x8x2048xf32, #tpu.memory_space<vmem>> -> memref<1x8x2048xf32, #tpu.memory_space<vmem>>
    %dma_wait3A_151 = tpu.memref_squeeze %dma_wait3A_150 : memref<1x8x2048xf32, #tpu.memory_space<vmem>> -> memref<8x2048xf32, #tpu.memory_space<vmem>>
    %dma_wait3A_152 = arith.constant 0 : i32
    %dma_wait3A_153 = tpu.memref_slice %arg4[%add3A_146, %dma_wait3A_152] : memref<16384x2048xf32, #tpu.memory_space<hbm>> -> memref<8x2048xf32, #tpu.memory_space<hbm>>
    %dma_wait3A_154 = arith.constant 0 : i32
    %dma_wait3A_155 = tpu.memref_slice %arg4[%add3A_146, %dma_wait3A_154] : memref<16384x2048xf32, #tpu.memory_space<hbm>> -> memref<8x2048xf32, #tpu.memory_space<hbm>>
    %dma_wait3A_156 = arith.constant 0 : i32
    %dma_wait3A_157 = arith.constant 0 : i32
    %dma_wait3A_158 = tpu.memref_slice %arg6[%dma_wait3A_147, %dma_wait3A_156, %dma_wait3A_157] : memref<4x8x2048xf32, #tpu.memory_space<vmem>> -> memref<1x8x2048xf32, #tpu.memory_space<vmem>>
    %dma_wait3A_159 = tpu.memref_squeeze %dma_wait3A_158 : memref<1x8x2048xf32, #tpu.memory_space<vmem>> -> memref<8x2048xf32, #tpu.memory_space<vmem>>
    tpu.wait_dma2 semaphore(%arg12 : memref<!tpu.dma_semaphore, #tpu.memory_space<semaphore_mem>>) src(%dma_wait3A_159 : memref<8x2048xf32, #tpu.memory_space<vmem>>) dst(%dma_wait3A_155 : memref<8x2048xf32, #tpu.memory_space<hbm>>)
    %dma_start3A_160 = arith.constant 1 : i32
    %dma_start3A_161 = arith.constant 0 : i32
    %dma_start3A_162 = arith.constant 0 : i32
    %dma_start3A_163 = tpu.memref_slice %arg6[%dma_start3A_160, %dma_start3A_161, %dma_start3A_162] : memref<4x8x2048xf32, #tpu.memory_space<vmem>> -> memref<1x8x2048xf32, #tpu.memory_space<vmem>>
    %dma_start3A_164 = tpu.memref_squeeze %dma_start3A_163 : memref<1x8x2048xf32, #tpu.memory_space<vmem>> -> memref<8x2048xf32, #tpu.memory_space<vmem>>
    %dma_start3A_165 = arith.constant 40 : i32
    %dma_start3A_166 = tpu.memref_slice %arg5[%dma_start3A_165] : memref<512xi32, #tpu.memory_space<vmem>> -> memref<8xi32, #tpu.memory_space<vmem>>
    %dma_start3A_167 = arith.constant 0 : i32
    %dma_start3A_168 = arith.constant 0 : i32
    %dma_start3A_169 = tpu.memref_slice %arg3[%dma_start3A_167, %dma_start3A_168] : memref<8192x2048xf32, #tpu.memory_space<hbm>> -> memref<8192x2048xf32, #tpu.memory_space<hbm>>
    tpu.enqueue_indirect_dma source(%dma_start3A_169 : memref<8192x2048xf32, #tpu.memory_space<hbm>>) target(%dma_start3A_164 : memref<8x2048xf32, #tpu.memory_space<vmem>>) offsets(%dma_start3A_166 : memref<8xi32, #tpu.memory_space<vmem>>) semaphore(%arg8 : memref<!tpu.dma_semaphore, #tpu.memory_space<semaphore_mem>>)
    %add3A_170 = arith.constant 16 : i32
    %add3A_171 = arith.addi %mul3A_2, %add3A_170 : i32
    %dma_wait3A_172 = arith.constant 2 : i32
    %dma_wait3A_173 = arith.constant 0 : i32
    %dma_wait3A_174 = arith.constant 0 : i32
    %dma_wait3A_175 = tpu.memref_slice %arg6[%dma_wait3A_172, %dma_wait3A_173, %dma_wait3A_174] : memref<4x8x2048xf32, #tpu.memory_space<vmem>> -> memref<1x8x2048xf32, #tpu.memory_space<vmem>>
    %dma_wait3A_176 = tpu.memref_squeeze %dma_wait3A_175 : memref<1x8x2048xf32, #tpu.memory_space<vmem>> -> memref<8x2048xf32, #tpu.memory_space<vmem>>
    %dma_wait3A_177 = arith.constant 0 : i32
    %dma_wait3A_178 = tpu.memref_slice %arg4[%add3A_171, %dma_wait3A_177] : memref<16384x2048xf32, #tpu.memory_space<hbm>> -> memref<8x2048xf32, #tpu.memory_space<hbm>>
    %dma_wait3A_179 = arith.constant 0 : i32
    %dma_wait3A_180 = tpu.memref_slice %arg4[%add3A_171, %dma_wait3A_179] : memref<16384x2048xf32, #tpu.memory_space<hbm>> -> memref<8x2048xf32, #tpu.memory_space<hbm>>
    %dma_wait3A_181 = arith.constant 0 : i32
    %dma_wait3A_182 = arith.constant 0 : i32
    %dma_wait3A_183 = tpu.memref_slice %arg6[%dma_wait3A_172, %dma_wait3A_181, %dma_wait3A_182] : memref<4x8x2048xf32, #tpu.memory_space<vmem>> -> memref<1x8x2048xf32, #tpu.memory_space<vmem>>
    %dma_wait3A_184 = tpu.memref_squeeze %dma_wait3A_183 : memref<1x8x2048xf32, #tpu.memory_space<vmem>> -> memref<8x2048xf32, #tpu.memory_space<vmem>>
    tpu.wait_dma2 semaphore(%arg13 : memref<!tpu.dma_semaphore, #tpu.memory_space<semaphore_mem>>) src(%dma_wait3A_184 : memref<8x2048xf32, #tpu.memory_space<vmem>>) dst(%dma_wait3A_180 : memref<8x2048xf32, #tpu.memory_space<hbm>>)
    %dma_start3A_185 = arith.constant 2 : i32
    %dma_start3A_186 = arith.constant 0 : i32
    %dma_start3A_187 = arith.constant 0 : i32
    %dma_start3A_188 = tpu.memref_slice %arg6[%dma_start3A_185, %dma_start3A_186, %dma_start3A_187] : memref<4x8x2048xf32, #tpu.memory_space<vmem>> -> memref<1x8x2048xf32, #tpu.memory_space<vmem>>
    %dma_start3A_189 = tpu.memref_squeeze %dma_start3A_188 : memref<1x8x2048xf32, #tpu.memory_space<vmem>> -> memref<8x2048xf32, #tpu.memory_space<vmem>>
    %dma_start3A_190 = arith.constant 48 : i32
    %dma_start3A_191 = tpu.memref_slice %arg5[%dma_start3A_190] : memref<512xi32, #tpu.memory_space<vmem>> -> memref<8xi32, #tpu.memory_space<vmem>>
    %dma_start3A_192 = arith.constant 0 : i32
    %dma_start3A_193 = arith.constant 0 : i32
    %dma_start3A_194 = tpu.memref_slice %arg3[%dma_start3A_192, %dma_start3A_193] : memref<8192x2048xf32, #tpu.memory_space<hbm>> -> memref<8192x2048xf32, #tpu.memory_space<hbm>>
    tpu.enqueue_indirect_dma source(%dma_start3A_194 : memref<8192x2048xf32, #tpu.memory_space<hbm>>) target(%dma_start3A_189 : memref<8x2048xf32, #tpu.memory_space<vmem>>) offsets(%dma_start3A_191 : memref<8xi32, #tpu.memory_space<vmem>>) semaphore(%arg9 : memref<!tpu.dma_semaphore, #tpu.memory_space<semaphore_mem>>)
    %dma_wait3A_195 = arith.constant 3 : i32
    %dma_wait3A_196 = arith.constant 0 : i32
    %dma_wait3A_197 = arith.constant 0 : i32
    %dma_wait3A_198 = tpu.memref_slice %arg6[%dma_wait3A_195, %dma_wait3A_196, %dma_wait3A_197] : memref<4x8x2048xf32, #tpu.memory_space<vmem>> -> memref<1x8x2048xf32, #tpu.memory_space<vmem>>
    %dma_wait3A_199 = tpu.memref_squeeze %dma_wait3A_198 : memref<1x8x2048xf32, #tpu.memory_space<vmem>> -> memref<8x2048xf32, #tpu.memory_space<vmem>>
    %dma_wait3A_200 = arith.constant 24 : i32
    %dma_wait3A_201 = tpu.memref_slice %arg5[%dma_wait3A_200] : memref<512xi32, #tpu.memory_space<vmem>> -> memref<8xi32, #tpu.memory_space<vmem>>
    %dma_wait3A_202 = arith.constant 0 : i32
    %dma_wait3A_203 = arith.constant 0 : i32
    %dma_wait3A_204 = tpu.memref_slice %arg3[%dma_wait3A_202, %dma_wait3A_203] : memref<8192x2048xf32, #tpu.memory_space<hbm>> -> memref<8192x2048xf32, #tpu.memory_space<hbm>>
    tpu.wait_indirect_dma semaphore(%arg10 : memref<!tpu.dma_semaphore, #tpu.memory_space<semaphore_mem>>) src(%dma_wait3A_204 : memref<8192x2048xf32, #tpu.memory_space<hbm>>) dst(%dma_wait3A_199 : memref<8x2048xf32, #tpu.memory_space<vmem>>)
    %add3A_205 = arith.constant 24 : i32
    %add3A_206 = arith.addi %mul3A_2, %add3A_205 : i32
    %dma_start3A_207 = arith.constant 3 : i32
    %dma_start3A_208 = arith.constant 0 : i32
    %dma_start3A_209 = arith.constant 0 : i32
    %dma_start3A_210 = tpu.memref_slice %arg6[%dma_start3A_207, %dma_start3A_208, %dma_start3A_209] : memref<4x8x2048xf32, #tpu.memory_space<vmem>> -> memref<1x8x2048xf32, #tpu.memory_space<vmem>>
    %dma_start3A_211 = tpu.memref_squeeze %dma_start3A_210 : memref<1x8x2048xf32, #tpu.memory_space<vmem>> -> memref<8x2048xf32, #tpu.memory_space<vmem>>
    %dma_start3A_212 = arith.constant 0 : i32
    %dma_start3A_213 = tpu.memref_slice %arg4[%add3A_206, %dma_start3A_212] : memref<16384x2048xf32, #tpu.memory_space<hbm>> -> memref<8x2048xf32, #tpu.memory_space<hbm>>
    %dma_start3A_214 = arith.constant 0 : i32
    %dma_start3A_215 = tpu.memref_slice %arg4[%add3A_206, %dma_start3A_214] : memref<16384x2048xf32, #tpu.memory_space<hbm>> -> memref<8x2048xf32, #tpu.memory_space<hbm>>
    %dma_start3A_216 = arith.constant 0 : i32
    %dma_start3A_217 = arith.constant 0 : i32
    %dma_start3A_218 = tpu.memref_slice %arg6[%dma_start3A_207, %dma_start3A_216, %dma_start3A_217] : memref<4x8x2048xf32, #tpu.memory_space<vmem>> -> memref<1x8x2048xf32, #tpu.memory_space<vmem>>
    %dma_start3A_219 = tpu.memref_squeeze %dma_start3A_218 : memref<1x8x2048xf32, #tpu.memory_space<vmem>> -> memref<8x2048xf32, #tpu.memory_space<vmem>>
    tpu.enqueue_dma source(%dma_start3A_219 : memref<8x2048xf32, #tpu.memory_space<vmem>>) target(%dma_start3A_215 : memref<8x2048xf32, #tpu.memory_space<hbm>>) target_semaphore(%arg14 : memref<!tpu.dma_semaphore, #tpu.memory_space<semaphore_mem>>)
    %scan3A = arith.constant 0 : i32
    %scan3A_220 = arith.constant 1 : i32
    %scan3A_221 = arith.constant 14 : i32
    %scan3A_222 = arith.addi %scan3A_220, %scan3A_221 : i32
    %scan3A_223 = arith.constant 1 : i32
    scf.for %scan3A_410 = %scan3A_220 to %scan3A_222 step %scan3A_223  : i32 {
      %mul3A_411 = arith.constant 4 : i32
      %mul3A_412 = arith.muli %scan3A_410, %mul3A_411 : i32
      %add3A_413 = arith.constant 0 : i32
      %add3A_414 = arith.addi %mul3A_412, %add3A_413 : i32
      %mul3A_415 = arith.constant 8 : i32
      %mul3A_416 = arith.muli %add3A_414, %mul3A_415 : i32
      %dma_wait3A_417 = arith.constant 0 : i32
      %dma_wait3A_418 = arith.constant 0 : i32
      %dma_wait3A_419 = arith.constant 0 : i32
      %dma_wait3A_420 = tpu.memref_slice %arg6[%dma_wait3A_417, %dma_wait3A_418, %dma_wait3A_419] : memref<4x8x2048xf32, #tpu.memory_space<vmem>> -> memref<1x8x2048xf32, #tpu.memory_space<vmem>>
      %dma_wait3A_421 = tpu.memref_squeeze %dma_wait3A_420 : memref<1x8x2048xf32, #tpu.memory_space<vmem>> -> memref<8x2048xf32, #tpu.memory_space<vmem>>
      %dma_wait3A_422 = tpu.memref_slice %arg5[%mul3A_416] : memref<512xi32, #tpu.memory_space<vmem>> -> memref<8xi32, #tpu.memory_space<vmem>>
      %dma_wait3A_423 = arith.constant 0 : i32
      %dma_wait3A_424 = arith.constant 0 : i32
      %dma_wait3A_425 = tpu.memref_slice %arg3[%dma_wait3A_423, %dma_wait3A_424] : memref<8192x2048xf32, #tpu.memory_space<hbm>> -> memref<8192x2048xf32, #tpu.memory_space<hbm>>
      tpu.wait_indirect_dma semaphore(%arg7 : memref<!tpu.dma_semaphore, #tpu.memory_space<semaphore_mem>>) src(%dma_wait3A_425 : memref<8192x2048xf32, #tpu.memory_space<hbm>>) dst(%dma_wait3A_421 : memref<8x2048xf32, #tpu.memory_space<vmem>>)
      %mul3A_426 = arith.constant 8 : i32
      %mul3A_427 = arith.muli %add3A_414, %mul3A_426 : i32
      %add3A_428 = arith.addi %mul3A_2, %mul3A_427 : i32
      %dma_start3A_429 = arith.constant 0 : i32
      %dma_start3A_430 = arith.constant 0 : i32
      %dma_start3A_431 = arith.constant 0 : i32
      %dma_start3A_432 = tpu.memref_slice %arg6[%dma_start3A_429, %dma_start3A_430, %dma_start3A_431] : memref<4x8x2048xf32, #tpu.memory_space<vmem>> -> memref<1x8x2048xf32, #tpu.memory_space<vmem>>
      %dma_start3A_433 = tpu.memref_squeeze %dma_start3A_432 : memref<1x8x2048xf32, #tpu.memory_space<vmem>> -> memref<8x2048xf32, #tpu.memory_space<vmem>>
      %dma_start3A_434 = arith.constant 0 : i32
      %dma_start3A_435 = tpu.memref_slice %arg4[%add3A_428, %dma_start3A_434] : memref<16384x2048xf32, #tpu.memory_space<hbm>> -> memref<8x2048xf32, #tpu.memory_space<hbm>>
      %dma_start3A_436 = arith.constant 0 : i32
      %dma_start3A_437 = tpu.memref_slice %arg4[%add3A_428, %dma_start3A_436] : memref<16384x2048xf32, #tpu.memory_space<hbm>> -> memref<8x2048xf32, #tpu.memory_space<hbm>>
      %dma_start3A_438 = arith.constant 0 : i32
      %dma_start3A_439 = arith.constant 0 : i32
      %dma_start3A_440 = tpu.memref_slice %arg6[%dma_start3A_429, %dma_start3A_438, %dma_start3A_439] : memref<4x8x2048xf32, #tpu.memory_space<vmem>> -> memref<1x8x2048xf32, #tpu.memory_space<vmem>>
      %dma_start3A_441 = tpu.memref_squeeze %dma_start3A_440 : memref<1x8x2048xf32, #tpu.memory_space<vmem>> -> memref<8x2048xf32, #tpu.memory_space<vmem>>
      tpu.enqueue_dma source(%dma_start3A_441 : memref<8x2048xf32, #tpu.memory_space<vmem>>) target(%dma_start3A_437 : memref<8x2048xf32, #tpu.memory_space<hbm>>) target_semaphore(%arg11 : memref<!tpu.dma_semaphore, #tpu.memory_space<semaphore_mem>>)
      %add3A_442 = arith.constant 4 : i32
      %add3A_443 = arith.addi %add3A_414, %add3A_442 : i32
      %sub3A = arith.constant 1 : i32
      %sub3A_444 = arith.subi %add3A_443, %sub3A : i32
      %sub3A_445 = arith.constant 4 : i32
      %sub3A_446 = arith.subi %sub3A_444, %sub3A_445 : i32
      %mul3A_447 = arith.constant 8 : i32
      %mul3A_448 = arith.muli %sub3A_446, %mul3A_447 : i32
      %add3A_449 = arith.addi %mul3A_2, %mul3A_448 : i32
      %dma_wait3A_450 = arith.constant 3 : i32
      %dma_wait3A_451 = arith.constant 0 : i32
      %dma_wait3A_452 = arith.constant 0 : i32
      %dma_wait3A_453 = tpu.memref_slice %arg6[%dma_wait3A_450, %dma_wait3A_451, %dma_wait3A_452] : memref<4x8x2048xf32, #tpu.memory_space<vmem>> -> memref<1x8x2048xf32, #tpu.memory_space<vmem>>
      %dma_wait3A_454 = tpu.memref_squeeze %dma_wait3A_453 : memref<1x8x2048xf32, #tpu.memory_space<vmem>> -> memref<8x2048xf32, #tpu.memory_space<vmem>>
      %dma_wait3A_455 = arith.constant 0 : i32
      %dma_wait3A_456 = tpu.memref_slice %arg4[%add3A_449, %dma_wait3A_455] : memref<16384x2048xf32, #tpu.memory_space<hbm>> -> memref<8x2048xf32, #tpu.memory_space<hbm>>
      %dma_wait3A_457 = arith.constant 0 : i32
      %dma_wait3A_458 = tpu.memref_slice %arg4[%add3A_449, %dma_wait3A_457] : memref<16384x2048xf32, #tpu.memory_space<hbm>> -> memref<8x2048xf32, #tpu.memory_space<hbm>>
      %dma_wait3A_459 = arith.constant 0 : i32
      %dma_wait3A_460 = arith.constant 0 : i32
      %dma_wait3A_461 = tpu.memref_slice %arg6[%dma_wait3A_450, %dma_wait3A_459, %dma_wait3A_460] : memref<4x8x2048xf32, #tpu.memory_space<vmem>> -> memref<1x8x2048xf32, #tpu.memory_space<vmem>>
      %dma_wait3A_462 = tpu.memref_squeeze %dma_wait3A_461 : memref<1x8x2048xf32, #tpu.memory_space<vmem>> -> memref<8x2048xf32, #tpu.memory_space<vmem>>
      tpu.wait_dma2 semaphore(%arg14 : memref<!tpu.dma_semaphore, #tpu.memory_space<semaphore_mem>>) src(%dma_wait3A_462 : memref<8x2048xf32, #tpu.memory_space<vmem>>) dst(%dma_wait3A_458 : memref<8x2048xf32, #tpu.memory_space<hbm>>)
      %mul3A_463 = arith.constant 8 : i32
      %mul3A_464 = arith.muli %sub3A_444, %mul3A_463 : i32
      %dma_start3A_465 = arith.constant 3 : i32
      %dma_start3A_466 = arith.constant 0 : i32
      %dma_start3A_467 = arith.constant 0 : i32
      %dma_start3A_468 = tpu.memref_slice %arg6[%dma_start3A_465, %dma_start3A_466, %dma_start3A_467] : memref<4x8x2048xf32, #tpu.memory_space<vmem>> -> memref<1x8x2048xf32, #tpu.memory_space<vmem>>
      %dma_start3A_469 = tpu.memref_squeeze %dma_start3A_468 : memref<1x8x2048xf32, #tpu.memory_space<vmem>> -> memref<8x2048xf32, #tpu.memory_space<vmem>>
      %dma_start3A_470 = tpu.memref_slice %arg5[%mul3A_464] : memref<512xi32, #tpu.memory_space<vmem>> -> memref<8xi32, #tpu.memory_space<vmem>>
      %dma_start3A_471 = arith.constant 0 : i32
      %dma_start3A_472 = arith.constant 0 : i32
      %dma_start3A_473 = tpu.memref_slice %arg3[%dma_start3A_471, %dma_start3A_472] : memref<8192x2048xf32, #tpu.memory_space<hbm>> -> memref<8192x2048xf32, #tpu.memory_space<hbm>>
      tpu.enqueue_indirect_dma source(%dma_start3A_473 : memref<8192x2048xf32, #tpu.memory_space<hbm>>) target(%dma_start3A_469 : memref<8x2048xf32, #tpu.memory_space<vmem>>) offsets(%dma_start3A_470 : memref<8xi32, #tpu.memory_space<vmem>>) semaphore(%arg10 : memref<!tpu.dma_semaphore, #tpu.memory_space<semaphore_mem>>)
      %mul3A_474 = arith.constant 4 : i32
      %mul3A_475 = arith.muli %scan3A_410, %mul3A_474 : i32
      %add3A_476 = arith.constant 1 : i32
      %add3A_477 = arith.addi %mul3A_475, %add3A_476 : i32
      %mul3A_478 = arith.constant 8 : i32
      %mul3A_479 = arith.muli %add3A_477, %mul3A_478 : i32
      %dma_wait3A_480 = arith.constant 1 : i32
      %dma_wait3A_481 = arith.constant 0 : i32
      %dma_wait3A_482 = arith.constant 0 : i32
      %dma_wait3A_483 = tpu.memref_slice %arg6[%dma_wait3A_480, %dma_wait3A_481, %dma_wait3A_482] : memref<4x8x2048xf32, #tpu.memory_space<vmem>> -> memref<1x8x2048xf32, #tpu.memory_space<vmem>>
      %dma_wait3A_484 = tpu.memref_squeeze %dma_wait3A_483 : memref<1x8x2048xf32, #tpu.memory_space<vmem>> -> memref<8x2048xf32, #tpu.memory_space<vmem>>
      %dma_wait3A_485 = tpu.memref_slice %arg5[%mul3A_479] : memref<512xi32, #tpu.memory_space<vmem>> -> memref<8xi32, #tpu.memory_space<vmem>>
      %dma_wait3A_486 = arith.constant 0 : i32
      %dma_wait3A_487 = arith.constant 0 : i32
      %dma_wait3A_488 = tpu.memref_slice %arg3[%dma_wait3A_486, %dma_wait3A_487] : memref<8192x2048xf32, #tpu.memory_space<hbm>> -> memref<8192x2048xf32, #tpu.memory_space<hbm>>
      tpu.wait_indirect_dma semaphore(%arg8 : memref<!tpu.dma_semaphore, #tpu.memory_space<semaphore_mem>>) src(%dma_wait3A_488 : memref<8192x2048xf32, #tpu.memory_space<hbm>>) dst(%dma_wait3A_484 : memref<8x2048xf32, #tpu.memory_space<vmem>>)
      %mul3A_489 = arith.constant 8 : i32
      %mul3A_490 = arith.muli %add3A_477, %mul3A_489 : i32
      %add3A_491 = arith.addi %mul3A_2, %mul3A_490 : i32
      %dma_start3A_492 = arith.constant 1 : i32
      %dma_start3A_493 = arith.constant 0 : i32
      %dma_start3A_494 = arith.constant 0 : i32
      %dma_start3A_495 = tpu.memref_slice %arg6[%dma_start3A_492, %dma_start3A_493, %dma_start3A_494] : memref<4x8x2048xf32, #tpu.memory_space<vmem>> -> memref<1x8x2048xf32, #tpu.memory_space<vmem>>
      %dma_start3A_496 = tpu.memref_squeeze %dma_start3A_495 : memref<1x8x2048xf32, #tpu.memory_space<vmem>> -> memref<8x2048xf32, #tpu.memory_space<vmem>>
      %dma_start3A_497 = arith.constant 0 : i32
      %dma_start3A_498 = tpu.memref_slice %arg4[%add3A_491, %dma_start3A_497] : memref<16384x2048xf32, #tpu.memory_space<hbm>> -> memref<8x2048xf32, #tpu.memory_space<hbm>>
      %dma_start3A_499 = arith.constant 0 : i32
      %dma_start3A_500 = tpu.memref_slice %arg4[%add3A_491, %dma_start3A_499] : memref<16384x2048xf32, #tpu.memory_space<hbm>> -> memref<8x2048xf32, #tpu.memory_space<hbm>>
      %dma_start3A_501 = arith.constant 0 : i32
      %dma_start3A_502 = arith.constant 0 : i32
      %dma_start3A_503 = tpu.memref_slice %arg6[%dma_start3A_492, %dma_start3A_501, %dma_start3A_502] : memref<4x8x2048xf32, #tpu.memory_space<vmem>> -> memref<1x8x2048xf32, #tpu.memory_space<vmem>>
      %dma_start3A_504 = tpu.memref_squeeze %dma_start3A_503 : memref<1x8x2048xf32, #tpu.memory_space<vmem>> -> memref<8x2048xf32, #tpu.memory_space<vmem>>
      tpu.enqueue_dma source(%dma_start3A_504 : memref<8x2048xf32, #tpu.memory_space<vmem>>) target(%dma_start3A_500 : memref<8x2048xf32, #tpu.memory_space<hbm>>) target_semaphore(%arg12 : memref<!tpu.dma_semaphore, #tpu.memory_space<semaphore_mem>>)
      %add3A_505 = arith.constant 4 : i32
      %add3A_506 = arith.addi %add3A_477, %add3A_505 : i32
      %sub3A_507 = arith.constant 1 : i32
      %sub3A_508 = arith.subi %add3A_506, %sub3A_507 : i32
      %sub3A_509 = arith.constant 4 : i32
      %sub3A_510 = arith.subi %sub3A_508, %sub3A_509 : i32
      %mul3A_511 = arith.constant 8 : i32
      %mul3A_512 = arith.muli %sub3A_510, %mul3A_511 : i32
      %add3A_513 = arith.addi %mul3A_2, %mul3A_512 : i32
      %dma_wait3A_514 = arith.constant 0 : i32
      %dma_wait3A_515 = arith.constant 0 : i32
      %dma_wait3A_516 = arith.constant 0 : i32
      %dma_wait3A_517 = tpu.memref_slice %arg6[%dma_wait3A_514, %dma_wait3A_515, %dma_wait3A_516] : memref<4x8x2048xf32, #tpu.memory_space<vmem>> -> memref<1x8x2048xf32, #tpu.memory_space<vmem>>
      %dma_wait3A_518 = tpu.memref_squeeze %dma_wait3A_517 : memref<1x8x2048xf32, #tpu.memory_space<vmem>> -> memref<8x2048xf32, #tpu.memory_space<vmem>>
      %dma_wait3A_519 = arith.constant 0 : i32
      %dma_wait3A_520 = tpu.memref_slice %arg4[%add3A_513, %dma_wait3A_519] : memref<16384x2048xf32, #tpu.memory_space<hbm>> -> memref<8x2048xf32, #tpu.memory_space<hbm>>
      %dma_wait3A_521 = arith.constant 0 : i32
      %dma_wait3A_522 = tpu.memref_slice %arg4[%add3A_513, %dma_wait3A_521] : memref<16384x2048xf32, #tpu.memory_space<hbm>> -> memref<8x2048xf32, #tpu.memory_space<hbm>>
      %dma_wait3A_523 = arith.constant 0 : i32
      %dma_wait3A_524 = arith.constant 0 : i32
      %dma_wait3A_525 = tpu.memref_slice %arg6[%dma_wait3A_514, %dma_wait3A_523, %dma_wait3A_524] : memref<4x8x2048xf32, #tpu.memory_space<vmem>> -> memref<1x8x2048xf32, #tpu.memory_space<vmem>>
      %dma_wait3A_526 = tpu.memref_squeeze %dma_wait3A_525 : memref<1x8x2048xf32, #tpu.memory_space<vmem>> -> memref<8x2048xf32, #tpu.memory_space<vmem>>
      tpu.wait_dma2 semaphore(%arg11 : memref<!tpu.dma_semaphore, #tpu.memory_space<semaphore_mem>>) src(%dma_wait3A_526 : memref<8x2048xf32, #tpu.memory_space<vmem>>) dst(%dma_wait3A_522 : memref<8x2048xf32, #tpu.memory_space<hbm>>)
      %mul3A_527 = arith.constant 8 : i32
      %mul3A_528 = arith.muli %sub3A_508, %mul3A_527 : i32
      %dma_start3A_529 = arith.constant 0 : i32
      %dma_start3A_530 = arith.constant 0 : i32
      %dma_start3A_531 = arith.constant 0 : i32
      %dma_start3A_532 = tpu.memref_slice %arg6[%dma_start3A_529, %dma_start3A_530, %dma_start3A_531] : memref<4x8x2048xf32, #tpu.memory_space<vmem>> -> memref<1x8x2048xf32, #tpu.memory_space<vmem>>
      %dma_start3A_533 = tpu.memref_squeeze %dma_start3A_532 : memref<1x8x2048xf32, #tpu.memory_space<vmem>> -> memref<8x2048xf32, #tpu.memory_space<vmem>>
      %dma_start3A_534 = tpu.memref_slice %arg5[%mul3A_528] : memref<512xi32, #tpu.memory_space<vmem>> -> memref<8xi32, #tpu.memory_space<vmem>>
      %dma_start3A_535 = arith.constant 0 : i32
      %dma_start3A_536 = arith.constant 0 : i32
      %dma_start3A_537 = tpu.memref_slice %arg3[%dma_start3A_535, %dma_start3A_536] : memref<8192x2048xf32, #tpu.memory_space<hbm>> -> memref<8192x2048xf32, #tpu.memory_space<hbm>>
      tpu.enqueue_indirect_dma source(%dma_start3A_537 : memref<8192x2048xf32, #tpu.memory_space<hbm>>) target(%dma_start3A_533 : memref<8x2048xf32, #tpu.memory_space<vmem>>) offsets(%dma_start3A_534 : memref<8xi32, #tpu.memory_space<vmem>>) semaphore(%arg7 : memref<!tpu.dma_semaphore, #tpu.memory_space<semaphore_mem>>)
      %mul3A_538 = arith.constant 4 : i32
      %mul3A_539 = arith.muli %scan3A_410, %mul3A_538 : i32
      %add3A_540 = arith.constant 2 : i32
      %add3A_541 = arith.addi %mul3A_539, %add3A_540 : i32
      %mul3A_542 = arith.constant 8 : i32
      %mul3A_543 = arith.muli %add3A_541, %mul3A_542 : i32
      %dma_wait3A_544 = arith.constant 2 : i32
      %dma_wait3A_545 = arith.constant 0 : i32
      %dma_wait3A_546 = arith.constant 0 : i32
      %dma_wait3A_547 = tpu.memref_slice %arg6[%dma_wait3A_544, %dma_wait3A_545, %dma_wait3A_546] : memref<4x8x2048xf32, #tpu.memory_space<vmem>> -> memref<1x8x2048xf32, #tpu.memory_space<vmem>>
      %dma_wait3A_548 = tpu.memref_squeeze %dma_wait3A_547 : memref<1x8x2048xf32, #tpu.memory_space<vmem>> -> memref<8x2048xf32, #tpu.memory_space<vmem>>
      %dma_wait3A_549 = tpu.memref_slice %arg5[%mul3A_543] : memref<512xi32, #tpu.memory_space<vmem>> -> memref<8xi32, #tpu.memory_space<vmem>>
      %dma_wait3A_550 = arith.constant 0 : i32
      %dma_wait3A_551 = arith.constant 0 : i32
      %dma_wait3A_552 = tpu.memref_slice %arg3[%dma_wait3A_550, %dma_wait3A_551] : memref<8192x2048xf32, #tpu.memory_space<hbm>> -> memref<8192x2048xf32, #tpu.memory_space<hbm>>
      tpu.wait_indirect_dma semaphore(%arg9 : memref<!tpu.dma_semaphore, #tpu.memory_space<semaphore_mem>>) src(%dma_wait3A_552 : memref<8192x2048xf32, #tpu.memory_space<hbm>>) dst(%dma_wait3A_548 : memref<8x2048xf32, #tpu.memory_space<vmem>>)
      %mul3A_553 = arith.constant 8 : i32
      %mul3A_554 = arith.muli %add3A_541, %mul3A_553 : i32
      %add3A_555 = arith.addi %mul3A_2, %mul3A_554 : i32
      %dma_start3A_556 = arith.constant 2 : i32
      %dma_start3A_557 = arith.constant 0 : i32
      %dma_start3A_558 = arith.constant 0 : i32
      %dma_start3A_559 = tpu.memref_slice %arg6[%dma_start3A_556, %dma_start3A_557, %dma_start3A_558] : memref<4x8x2048xf32, #tpu.memory_space<vmem>> -> memref<1x8x2048xf32, #tpu.memory_space<vmem>>
      %dma_start3A_560 = tpu.memref_squeeze %dma_start3A_559 : memref<1x8x2048xf32, #tpu.memory_space<vmem>> -> memref<8x2048xf32, #tpu.memory_space<vmem>>
      %dma_start3A_561 = arith.constant 0 : i32
      %dma_start3A_562 = tpu.memref_slice %arg4[%add3A_555, %dma_start3A_561] : memref<16384x2048xf32, #tpu.memory_space<hbm>> -> memref<8x2048xf32, #tpu.memory_space<hbm>>
      %dma_start3A_563 = arith.constant 0 : i32
      %dma_start3A_564 = tpu.memref_slice %arg4[%add3A_555, %dma_start3A_563] : memref<16384x2048xf32, #tpu.memory_space<hbm>> -> memref<8x2048xf32, #tpu.memory_space<hbm>>
      %dma_start3A_565 = arith.constant 0 : i32
      %dma_start3A_566 = arith.constant 0 : i32
      %dma_start3A_567 = tpu.memref_slice %arg6[%dma_start3A_556, %dma_start3A_565, %dma_start3A_566] : memref<4x8x2048xf32, #tpu.memory_space<vmem>> -> memref<1x8x2048xf32, #tpu.memory_space<vmem>>
      %dma_start3A_568 = tpu.memref_squeeze %dma_start3A_567 : memref<1x8x2048xf32, #tpu.memory_space<vmem>> -> memref<8x2048xf32, #tpu.memory_space<vmem>>
      tpu.enqueue_dma source(%dma_start3A_568 : memref<8x2048xf32, #tpu.memory_space<vmem>>) target(%dma_start3A_564 : memref<8x2048xf32, #tpu.memory_space<hbm>>) target_semaphore(%arg13 : memref<!tpu.dma_semaphore, #tpu.memory_space<semaphore_mem>>)
      %add3A_569 = arith.constant 4 : i32
      %add3A_570 = arith.addi %add3A_541, %add3A_569 : i32
      %sub3A_571 = arith.constant 1 : i32
      %sub3A_572 = arith.subi %add3A_570, %sub3A_571 : i32
      %sub3A_573 = arith.constant 4 : i32
      %sub3A_574 = arith.subi %sub3A_572, %sub3A_573 : i32
      %mul3A_575 = arith.constant 8 : i32
      %mul3A_576 = arith.muli %sub3A_574, %mul3A_575 : i32
      %add3A_577 = arith.addi %mul3A_2, %mul3A_576 : i32
      %dma_wait3A_578 = arith.constant 1 : i32
      %dma_wait3A_579 = arith.constant 0 : i32
      %dma_wait3A_580 = arith.constant 0 : i32
      %dma_wait3A_581 = tpu.memref_slice %arg6[%dma_wait3A_578, %dma_wait3A_579, %dma_wait3A_580] : memref<4x8x2048xf32, #tpu.memory_space<vmem>> -> memref<1x8x2048xf32, #tpu.memory_space<vmem>>
      %dma_wait3A_582 = tpu.memref_squeeze %dma_wait3A_581 : memref<1x8x2048xf32, #tpu.memory_space<vmem>> -> memref<8x2048xf32, #tpu.memory_space<vmem>>
      %dma_wait3A_583 = arith.constant 0 : i32
      %dma_wait3A_584 = tpu.memref_slice %arg4[%add3A_577, %dma_wait3A_583] : memref<16384x2048xf32, #tpu.memory_space<hbm>> -> memref<8x2048xf32, #tpu.memory_space<hbm>>
      %dma_wait3A_585 = arith.constant 0 : i32
      %dma_wait3A_586 = tpu.memref_slice %arg4[%add3A_577, %dma_wait3A_585] : memref<16384x2048xf32, #tpu.memory_space<hbm>> -> memref<8x2048xf32, #tpu.memory_space<hbm>>
      %dma_wait3A_587 = arith.constant 0 : i32
      %dma_wait3A_588 = arith.constant 0 : i32
      %dma_wait3A_589 = tpu.memref_slice %arg6[%dma_wait3A_578, %dma_wait3A_587, %dma_wait3A_588] : memref<4x8x2048xf32, #tpu.memory_space<vmem>> -> memref<1x8x2048xf32, #tpu.memory_space<vmem>>
      %dma_wait3A_590 = tpu.memref_squeeze %dma_wait3A_589 : memref<1x8x2048xf32, #tpu.memory_space<vmem>> -> memref<8x2048xf32, #tpu.memory_space<vmem>>
      tpu.wait_dma2 semaphore(%arg12 : memref<!tpu.dma_semaphore, #tpu.memory_space<semaphore_mem>>) src(%dma_wait3A_590 : memref<8x2048xf32, #tpu.memory_space<vmem>>) dst(%dma_wait3A_586 : memref<8x2048xf32, #tpu.memory_space<hbm>>)
      %mul3A_591 = arith.constant 8 : i32
      %mul3A_592 = arith.muli %sub3A_572, %mul3A_591 : i32
      %dma_start3A_593 = arith.constant 1 : i32
      %dma_start3A_594 = arith.constant 0 : i32
      %dma_start3A_595 = arith.constant 0 : i32
      %dma_start3A_596 = tpu.memref_slice %arg6[%dma_start3A_593, %dma_start3A_594, %dma_start3A_595] : memref<4x8x2048xf32, #tpu.memory_space<vmem>> -> memref<1x8x2048xf32, #tpu.memory_space<vmem>>
      %dma_start3A_597 = tpu.memref_squeeze %dma_start3A_596 : memref<1x8x2048xf32, #tpu.memory_space<vmem>> -> memref<8x2048xf32, #tpu.memory_space<vmem>>
      %dma_start3A_598 = tpu.memref_slice %arg5[%mul3A_592] : memref<512xi32, #tpu.memory_space<vmem>> -> memref<8xi32, #tpu.memory_space<vmem>>
      %dma_start3A_599 = arith.constant 0 : i32
      %dma_start3A_600 = arith.constant 0 : i32
      %dma_start3A_601 = tpu.memref_slice %arg3[%dma_start3A_599, %dma_start3A_600] : memref<8192x2048xf32, #tpu.memory_space<hbm>> -> memref<8192x2048xf32, #tpu.memory_space<hbm>>
      tpu.enqueue_indirect_dma source(%dma_start3A_601 : memref<8192x2048xf32, #tpu.memory_space<hbm>>) target(%dma_start3A_597 : memref<8x2048xf32, #tpu.memory_space<vmem>>) offsets(%dma_start3A_598 : memref<8xi32, #tpu.memory_space<vmem>>) semaphore(%arg8 : memref<!tpu.dma_semaphore, #tpu.memory_space<semaphore_mem>>)
      %mul3A_602 = arith.constant 4 : i32
      %mul3A_603 = arith.muli %scan3A_410, %mul3A_602 : i32
      %add3A_604 = arith.constant 3 : i32
      %add3A_605 = arith.addi %mul3A_603, %add3A_604 : i32
      %mul3A_606 = arith.constant 8 : i32
      %mul3A_607 = arith.muli %add3A_605, %mul3A_606 : i32
      %dma_wait3A_608 = arith.constant 3 : i32
      %dma_wait3A_609 = arith.constant 0 : i32
      %dma_wait3A_610 = arith.constant 0 : i32
      %dma_wait3A_611 = tpu.memref_slice %arg6[%dma_wait3A_608, %dma_wait3A_609, %dma_wait3A_610] : memref<4x8x2048xf32, #tpu.memory_space<vmem>> -> memref<1x8x2048xf32, #tpu.memory_space<vmem>>
      %dma_wait3A_612 = tpu.memref_squeeze %dma_wait3A_611 : memref<1x8x2048xf32, #tpu.memory_space<vmem>> -> memref<8x2048xf32, #tpu.memory_space<vmem>>
      %dma_wait3A_613 = tpu.memref_slice %arg5[%mul3A_607] : memref<512xi32, #tpu.memory_space<vmem>> -> memref<8xi32, #tpu.memory_space<vmem>>
      %dma_wait3A_614 = arith.constant 0 : i32
      %dma_wait3A_615 = arith.constant 0 : i32
      %dma_wait3A_616 = tpu.memref_slice %arg3[%dma_wait3A_614, %dma_wait3A_615] : memref<8192x2048xf32, #tpu.memory_space<hbm>> -> memref<8192x2048xf32, #tpu.memory_space<hbm>>
      tpu.wait_indirect_dma semaphore(%arg10 : memref<!tpu.dma_semaphore, #tpu.memory_space<semaphore_mem>>) src(%dma_wait3A_616 : memref<8192x2048xf32, #tpu.memory_space<hbm>>) dst(%dma_wait3A_612 : memref<8x2048xf32, #tpu.memory_space<vmem>>)
      %mul3A_617 = arith.constant 8 : i32
      %mul3A_618 = arith.muli %add3A_605, %mul3A_617 : i32
      %add3A_619 = arith.addi %mul3A_2, %mul3A_618 : i32
      %dma_start3A_620 = arith.constant 3 : i32
      %dma_start3A_621 = arith.constant 0 : i32
      %dma_start3A_622 = arith.constant 0 : i32
      %dma_start3A_623 = tpu.memref_slice %arg6[%dma_start3A_620, %dma_start3A_621, %dma_start3A_622] : memref<4x8x2048xf32, #tpu.memory_space<vmem>> -> memref<1x8x2048xf32, #tpu.memory_space<vmem>>
      %dma_start3A_624 = tpu.memref_squeeze %dma_start3A_623 : memref<1x8x2048xf32, #tpu.memory_space<vmem>> -> memref<8x2048xf32, #tpu.memory_space<vmem>>
      %dma_start3A_625 = arith.constant 0 : i32
      %dma_start3A_626 = tpu.memref_slice %arg4[%add3A_619, %dma_start3A_625] : memref<16384x2048xf32, #tpu.memory_space<hbm>> -> memref<8x2048xf32, #tpu.memory_space<hbm>>
      %dma_start3A_627 = arith.constant 0 : i32
      %dma_start3A_628 = tpu.memref_slice %arg4[%add3A_619, %dma_start3A_627] : memref<16384x2048xf32, #tpu.memory_space<hbm>> -> memref<8x2048xf32, #tpu.memory_space<hbm>>
      %dma_start3A_629 = arith.constant 0 : i32
      %dma_start3A_630 = arith.constant 0 : i32
      %dma_start3A_631 = tpu.memref_slice %arg6[%dma_start3A_620, %dma_start3A_629, %dma_start3A_630] : memref<4x8x2048xf32, #tpu.memory_space<vmem>> -> memref<1x8x2048xf32, #tpu.memory_space<vmem>>
      %dma_start3A_632 = tpu.memref_squeeze %dma_start3A_631 : memref<1x8x2048xf32, #tpu.memory_space<vmem>> -> memref<8x2048xf32, #tpu.memory_space<vmem>>
      tpu.enqueue_dma source(%dma_start3A_632 : memref<8x2048xf32, #tpu.memory_space<vmem>>) target(%dma_start3A_628 : memref<8x2048xf32, #tpu.memory_space<hbm>>) target_semaphore(%arg14 : memref<!tpu.dma_semaphore, #tpu.memory_space<semaphore_mem>>)
      %add3A_633 = arith.constant 4 : i32
      %add3A_634 = arith.addi %add3A_605, %add3A_633 : i32
      %sub3A_635 = arith.constant 1 : i32
      %sub3A_636 = arith.subi %add3A_634, %sub3A_635 : i32
      %sub3A_637 = arith.constant 4 : i32
      %sub3A_638 = arith.subi %sub3A_636, %sub3A_637 : i32
      %mul3A_639 = arith.constant 8 : i32
      %mul3A_640 = arith.muli %sub3A_638, %mul3A_639 : i32
      %add3A_641 = arith.addi %mul3A_2, %mul3A_640 : i32
      %dma_wait3A_642 = arith.constant 2 : i32
      %dma_wait3A_643 = arith.constant 0 : i32
      %dma_wait3A_644 = arith.constant 0 : i32
      %dma_wait3A_645 = tpu.memref_slice %arg6[%dma_wait3A_642, %dma_wait3A_643, %dma_wait3A_644] : memref<4x8x2048xf32, #tpu.memory_space<vmem>> -> memref<1x8x2048xf32, #tpu.memory_space<vmem>>
      %dma_wait3A_646 = tpu.memref_squeeze %dma_wait3A_645 : memref<1x8x2048xf32, #tpu.memory_space<vmem>> -> memref<8x2048xf32, #tpu.memory_space<vmem>>
      %dma_wait3A_647 = arith.constant 0 : i32
      %dma_wait3A_648 = tpu.memref_slice %arg4[%add3A_641, %dma_wait3A_647] : memref<16384x2048xf32, #tpu.memory_space<hbm>> -> memref<8x2048xf32, #tpu.memory_space<hbm>>
      %dma_wait3A_649 = arith.constant 0 : i32
      %dma_wait3A_650 = tpu.memref_slice %arg4[%add3A_641, %dma_wait3A_649] : memref<16384x2048xf32, #tpu.memory_space<hbm>> -> memref<8x2048xf32, #tpu.memory_space<hbm>>
      %dma_wait3A_651 = arith.constant 0 : i32
      %dma_wait3A_652 = arith.constant 0 : i32
      %dma_wait3A_653 = tpu.memref_slice %arg6[%dma_wait3A_642, %dma_wait3A_651, %dma_wait3A_652] : memref<4x8x2048xf32, #tpu.memory_space<vmem>> -> memref<1x8x2048xf32, #tpu.memory_space<vmem>>
      %dma_wait3A_654 = tpu.memref_squeeze %dma_wait3A_653 : memref<1x8x2048xf32, #tpu.memory_space<vmem>> -> memref<8x2048xf32, #tpu.memory_space<vmem>>
      tpu.wait_dma2 semaphore(%arg13 : memref<!tpu.dma_semaphore, #tpu.memory_space<semaphore_mem>>) src(%dma_wait3A_654 : memref<8x2048xf32, #tpu.memory_space<vmem>>) dst(%dma_wait3A_650 : memref<8x2048xf32, #tpu.memory_space<hbm>>)
      %mul3A_655 = arith.constant 8 : i32
      %mul3A_656 = arith.muli %sub3A_636, %mul3A_655 : i32
      %dma_start3A_657 = arith.constant 2 : i32
      %dma_start3A_658 = arith.constant 0 : i32
      %dma_start3A_659 = arith.constant 0 : i32
      %dma_start3A_660 = tpu.memref_slice %arg6[%dma_start3A_657, %dma_start3A_658, %dma_start3A_659] : memref<4x8x2048xf32, #tpu.memory_space<vmem>> -> memref<1x8x2048xf32, #tpu.memory_space<vmem>>
      %dma_start3A_661 = tpu.memref_squeeze %dma_start3A_660 : memref<1x8x2048xf32, #tpu.memory_space<vmem>> -> memref<8x2048xf32, #tpu.memory_space<vmem>>
      %dma_start3A_662 = tpu.memref_slice %arg5[%mul3A_656] : memref<512xi32, #tpu.memory_space<vmem>> -> memref<8xi32, #tpu.memory_space<vmem>>
      %dma_start3A_663 = arith.constant 0 : i32
      %dma_start3A_664 = arith.constant 0 : i32
      %dma_start3A_665 = tpu.memref_slice %arg3[%dma_start3A_663, %dma_start3A_664] : memref<8192x2048xf32, #tpu.memory_space<hbm>> -> memref<8192x2048xf32, #tpu.memory_space<hbm>>
      tpu.enqueue_indirect_dma source(%dma_start3A_665 : memref<8192x2048xf32, #tpu.memory_space<hbm>>) target(%dma_start3A_661 : memref<8x2048xf32, #tpu.memory_space<vmem>>) offsets(%dma_start3A_662 : memref<8xi32, #tpu.memory_space<vmem>>) semaphore(%arg9 : memref<!tpu.dma_semaphore, #tpu.memory_space<semaphore_mem>>)
    }
    %scan3A_224 = arith.constant 14 : i32
    %dma_wait3A_225 = arith.constant 0 : i32
    %dma_wait3A_226 = arith.constant 0 : i32
    %dma_wait3A_227 = arith.constant 0 : i32
    %dma_wait3A_228 = tpu.memref_slice %arg6[%dma_wait3A_225, %dma_wait3A_226, %dma_wait3A_227] : memref<4x8x2048xf32, #tpu.memory_space<vmem>> -> memref<1x8x2048xf32, #tpu.memory_space<vmem>>
    %dma_wait3A_229 = tpu.memref_squeeze %dma_wait3A_228 : memref<1x8x2048xf32, #tpu.memory_space<vmem>> -> memref<8x2048xf32, #tpu.memory_space<vmem>>
    %dma_wait3A_230 = arith.constant 480 : i32
    %dma_wait3A_231 = tpu.memref_slice %arg5[%dma_wait3A_230] : memref<512xi32, #tpu.memory_space<vmem>> -> memref<8xi32, #tpu.memory_space<vmem>>
    %dma_wait3A_232 = arith.constant 0 : i32
    %dma_wait3A_233 = arith.constant 0 : i32
    %dma_wait3A_234 = tpu.memref_slice %arg3[%dma_wait3A_232, %dma_wait3A_233] : memref<8192x2048xf32, #tpu.memory_space<hbm>> -> memref<8192x2048xf32, #tpu.memory_space<hbm>>
    tpu.wait_indirect_dma semaphore(%arg7 : memref<!tpu.dma_semaphore, #tpu.memory_space<semaphore_mem>>) src(%dma_wait3A_234 : memref<8192x2048xf32, #tpu.memory_space<hbm>>) dst(%dma_wait3A_229 : memref<8x2048xf32, #tpu.memory_space<vmem>>)
    %add3A_235 = arith.constant 480 : i32
    %add3A_236 = arith.addi %mul3A_2, %add3A_235 : i32
    %dma_start3A_237 = arith.constant 0 : i32
    %dma_start3A_238 = arith.constant 0 : i32
    %dma_start3A_239 = arith.constant 0 : i32
    %dma_start3A_240 = tpu.memref_slice %arg6[%dma_start3A_237, %dma_start3A_238, %dma_start3A_239] : memref<4x8x2048xf32, #tpu.memory_space<vmem>> -> memref<1x8x2048xf32, #tpu.memory_space<vmem>>
    %dma_start3A_241 = tpu.memref_squeeze %dma_start3A_240 : memref<1x8x2048xf32, #tpu.memory_space<vmem>> -> memref<8x2048xf32, #tpu.memory_space<vmem>>
    %dma_start3A_242 = arith.constant 0 : i32
    %dma_start3A_243 = tpu.memref_slice %arg4[%add3A_236, %dma_start3A_242] : memref<16384x2048xf32, #tpu.memory_space<hbm>> -> memref<8x2048xf32, #tpu.memory_space<hbm>>
    %dma_start3A_244 = arith.constant 0 : i32
    %dma_start3A_245 = tpu.memref_slice %arg4[%add3A_236, %dma_start3A_244] : memref<16384x2048xf32, #tpu.memory_space<hbm>> -> memref<8x2048xf32, #tpu.memory_space<hbm>>
    %dma_start3A_246 = arith.constant 0 : i32
    %dma_start3A_247 = arith.constant 0 : i32
    %dma_start3A_248 = tpu.memref_slice %arg6[%dma_start3A_237, %dma_start3A_246, %dma_start3A_247] : memref<4x8x2048xf32, #tpu.memory_space<vmem>> -> memref<1x8x2048xf32, #tpu.memory_space<vmem>>
    %dma_start3A_249 = tpu.memref_squeeze %dma_start3A_248 : memref<1x8x2048xf32, #tpu.memory_space<vmem>> -> memref<8x2048xf32, #tpu.memory_space<vmem>>
    tpu.enqueue_dma source(%dma_start3A_249 : memref<8x2048xf32, #tpu.memory_space<vmem>>) target(%dma_start3A_245 : memref<8x2048xf32, #tpu.memory_space<hbm>>) target_semaphore(%arg11 : memref<!tpu.dma_semaphore, #tpu.memory_space<semaphore_mem>>)
    %add3A_250 = arith.constant 472 : i32
    %add3A_251 = arith.addi %mul3A_2, %add3A_250 : i32
    %dma_wait3A_252 = arith.constant 3 : i32
    %dma_wait3A_253 = arith.constant 0 : i32
    %dma_wait3A_254 = arith.constant 0 : i32
    %dma_wait3A_255 = tpu.memref_slice %arg6[%dma_wait3A_252, %dma_wait3A_253, %dma_wait3A_254] : memref<4x8x2048xf32, #tpu.memory_space<vmem>> -> memref<1x8x2048xf32, #tpu.memory_space<vmem>>
    %dma_wait3A_256 = tpu.memref_squeeze %dma_wait3A_255 : memref<1x8x2048xf32, #tpu.memory_space<vmem>> -> memref<8x2048xf32, #tpu.memory_space<vmem>>
    %dma_wait3A_257 = arith.constant 0 : i32
    %dma_wait3A_258 = tpu.memref_slice %arg4[%add3A_251, %dma_wait3A_257] : memref<16384x2048xf32, #tpu.memory_space<hbm>> -> memref<8x2048xf32, #tpu.memory_space<hbm>>
    %dma_wait3A_259 = arith.constant 0 : i32
    %dma_wait3A_260 = tpu.memref_slice %arg4[%add3A_251, %dma_wait3A_259] : memref<16384x2048xf32, #tpu.memory_space<hbm>> -> memref<8x2048xf32, #tpu.memory_space<hbm>>
    %dma_wait3A_261 = arith.constant 0 : i32
    %dma_wait3A_262 = arith.constant 0 : i32
    %dma_wait3A_263 = tpu.memref_slice %arg6[%dma_wait3A_252, %dma_wait3A_261, %dma_wait3A_262] : memref<4x8x2048xf32, #tpu.memory_space<vmem>> -> memref<1x8x2048xf32, #tpu.memory_space<vmem>>
    %dma_wait3A_264 = tpu.memref_squeeze %dma_wait3A_263 : memref<1x8x2048xf32, #tpu.memory_space<vmem>> -> memref<8x2048xf32, #tpu.memory_space<vmem>>
    tpu.wait_dma2 semaphore(%arg14 : memref<!tpu.dma_semaphore, #tpu.memory_space<semaphore_mem>>) src(%dma_wait3A_264 : memref<8x2048xf32, #tpu.memory_space<vmem>>) dst(%dma_wait3A_260 : memref<8x2048xf32, #tpu.memory_space<hbm>>)
    %dma_start3A_265 = arith.constant 3 : i32
    %dma_start3A_266 = arith.constant 0 : i32
    %dma_start3A_267 = arith.constant 0 : i32
    %dma_start3A_268 = tpu.memref_slice %arg6[%dma_start3A_265, %dma_start3A_266, %dma_start3A_267] : memref<4x8x2048xf32, #tpu.memory_space<vmem>> -> memref<1x8x2048xf32, #tpu.memory_space<vmem>>
    %dma_start3A_269 = tpu.memref_squeeze %dma_start3A_268 : memref<1x8x2048xf32, #tpu.memory_space<vmem>> -> memref<8x2048xf32, #tpu.memory_space<vmem>>
    %dma_start3A_270 = arith.constant 504 : i32
    %dma_start3A_271 = tpu.memref_slice %arg5[%dma_start3A_270] : memref<512xi32, #tpu.memory_space<vmem>> -> memref<8xi32, #tpu.memory_space<vmem>>
    %dma_start3A_272 = arith.constant 0 : i32
    %dma_start3A_273 = arith.constant 0 : i32
    %dma_start3A_274 = tpu.memref_slice %arg3[%dma_start3A_272, %dma_start3A_273] : memref<8192x2048xf32, #tpu.memory_space<hbm>> -> memref<8192x2048xf32, #tpu.memory_space<hbm>>
    tpu.enqueue_indirect_dma source(%dma_start3A_274 : memref<8192x2048xf32, #tpu.memory_space<hbm>>) target(%dma_start3A_269 : memref<8x2048xf32, #tpu.memory_space<vmem>>) offsets(%dma_start3A_271 : memref<8xi32, #tpu.memory_space<vmem>>) semaphore(%arg10 : memref<!tpu.dma_semaphore, #tpu.memory_space<semaphore_mem>>)
    %dma_wait3A_275 = arith.constant 1 : i32
    %dma_wait3A_276 = arith.constant 0 : i32
    %dma_wait3A_277 = arith.constant 0 : i32
    %dma_wait3A_278 = tpu.memref_slice %arg6[%dma_wait3A_275, %dma_wait3A_276, %dma_wait3A_277] : memref<4x8x2048xf32, #tpu.memory_space<vmem>> -> memref<1x8x2048xf32, #tpu.memory_space<vmem>>
    %dma_wait3A_279 = tpu.memref_squeeze %dma_wait3A_278 : memref<1x8x2048xf32, #tpu.memory_space<vmem>> -> memref<8x2048xf32, #tpu.memory_space<vmem>>
    %dma_wait3A_280 = arith.constant 488 : i32
    %dma_wait3A_281 = tpu.memref_slice %arg5[%dma_wait3A_280] : memref<512xi32, #tpu.memory_space<vmem>> -> memref<8xi32, #tpu.memory_space<vmem>>
    %dma_wait3A_282 = arith.constant 0 : i32
    %dma_wait3A_283 = arith.constant 0 : i32
    %dma_wait3A_284 = tpu.memref_slice %arg3[%dma_wait3A_282, %dma_wait3A_283] : memref<8192x2048xf32, #tpu.memory_space<hbm>> -> memref<8192x2048xf32, #tpu.memory_space<hbm>>
    tpu.wait_indirect_dma semaphore(%arg8 : memref<!tpu.dma_semaphore, #tpu.memory_space<semaphore_mem>>) src(%dma_wait3A_284 : memref<8192x2048xf32, #tpu.memory_space<hbm>>) dst(%dma_wait3A_279 : memref<8x2048xf32, #tpu.memory_space<vmem>>)
    %add3A_285 = arith.constant 488 : i32
    %add3A_286 = arith.addi %mul3A_2, %add3A_285 : i32
    %dma_start3A_287 = arith.constant 1 : i32
    %dma_start3A_288 = arith.constant 0 : i32
    %dma_start3A_289 = arith.constant 0 : i32
    %dma_start3A_290 = tpu.memref_slice %arg6[%dma_start3A_287, %dma_start3A_288, %dma_start3A_289] : memref<4x8x2048xf32, #tpu.memory_space<vmem>> -> memref<1x8x2048xf32, #tpu.memory_space<vmem>>
    %dma_start3A_291 = tpu.memref_squeeze %dma_start3A_290 : memref<1x8x2048xf32, #tpu.memory_space<vmem>> -> memref<8x2048xf32, #tpu.memory_space<vmem>>
    %dma_start3A_292 = arith.constant 0 : i32
    %dma_start3A_293 = tpu.memref_slice %arg4[%add3A_286, %dma_start3A_292] : memref<16384x2048xf32, #tpu.memory_space<hbm>> -> memref<8x2048xf32, #tpu.memory_space<hbm>>
    %dma_start3A_294 = arith.constant 0 : i32
    %dma_start3A_295 = tpu.memref_slice %arg4[%add3A_286, %dma_start3A_294] : memref<16384x2048xf32, #tpu.memory_space<hbm>> -> memref<8x2048xf32, #tpu.memory_space<hbm>>
    %dma_start3A_296 = arith.constant 0 : i32
    %dma_start3A_297 = arith.constant 0 : i32
    %dma_start3A_298 = tpu.memref_slice %arg6[%dma_start3A_287, %dma_start3A_296, %dma_start3A_297] : memref<4x8x2048xf32, #tpu.memory_space<vmem>> -> memref<1x8x2048xf32, #tpu.memory_space<vmem>>
    %dma_start3A_299 = tpu.memref_squeeze %dma_start3A_298 : memref<1x8x2048xf32, #tpu.memory_space<vmem>> -> memref<8x2048xf32, #tpu.memory_space<vmem>>
    tpu.enqueue_dma source(%dma_start3A_299 : memref<8x2048xf32, #tpu.memory_space<vmem>>) target(%dma_start3A_295 : memref<8x2048xf32, #tpu.memory_space<hbm>>) target_semaphore(%arg12 : memref<!tpu.dma_semaphore, #tpu.memory_space<semaphore_mem>>)
    %dma_wait3A_300 = arith.constant 2 : i32
    %dma_wait3A_301 = arith.constant 0 : i32
    %dma_wait3A_302 = arith.constant 0 : i32
    %dma_wait3A_303 = tpu.memref_slice %arg6[%dma_wait3A_300, %dma_wait3A_301, %dma_wait3A_302] : memref<4x8x2048xf32, #tpu.memory_space<vmem>> -> memref<1x8x2048xf32, #tpu.memory_space<vmem>>
    %dma_wait3A_304 = tpu.memref_squeeze %dma_wait3A_303 : memref<1x8x2048xf32, #tpu.memory_space<vmem>> -> memref<8x2048xf32, #tpu.memory_space<vmem>>
    %dma_wait3A_305 = arith.constant 496 : i32
    %dma_wait3A_306 = tpu.memref_slice %arg5[%dma_wait3A_305] : memref<512xi32, #tpu.memory_space<vmem>> -> memref<8xi32, #tpu.memory_space<vmem>>
    %dma_wait3A_307 = arith.constant 0 : i32
    %dma_wait3A_308 = arith.constant 0 : i32
    %dma_wait3A_309 = tpu.memref_slice %arg3[%dma_wait3A_307, %dma_wait3A_308] : memref<8192x2048xf32, #tpu.memory_space<hbm>> -> memref<8192x2048xf32, #tpu.memory_space<hbm>>
    tpu.wait_indirect_dma semaphore(%arg9 : memref<!tpu.dma_semaphore, #tpu.memory_space<semaphore_mem>>) src(%dma_wait3A_309 : memref<8192x2048xf32, #tpu.memory_space<hbm>>) dst(%dma_wait3A_304 : memref<8x2048xf32, #tpu.memory_space<vmem>>)
    %add3A_310 = arith.constant 496 : i32
    %add3A_311 = arith.addi %mul3A_2, %add3A_310 : i32
    %dma_start3A_312 = arith.constant 2 : i32
    %dma_start3A_313 = arith.constant 0 : i32
    %dma_start3A_314 = arith.constant 0 : i32
    %dma_start3A_315 = tpu.memref_slice %arg6[%dma_start3A_312, %dma_start3A_313, %dma_start3A_314] : memref<4x8x2048xf32, #tpu.memory_space<vmem>> -> memref<1x8x2048xf32, #tpu.memory_space<vmem>>
    %dma_start3A_316 = tpu.memref_squeeze %dma_start3A_315 : memref<1x8x2048xf32, #tpu.memory_space<vmem>> -> memref<8x2048xf32, #tpu.memory_space<vmem>>
    %dma_start3A_317 = arith.constant 0 : i32
    %dma_start3A_318 = tpu.memref_slice %arg4[%add3A_311, %dma_start3A_317] : memref<16384x2048xf32, #tpu.memory_space<hbm>> -> memref<8x2048xf32, #tpu.memory_space<hbm>>
    %dma_start3A_319 = arith.constant 0 : i32
    %dma_start3A_320 = tpu.memref_slice %arg4[%add3A_311, %dma_start3A_319] : memref<16384x2048xf32, #tpu.memory_space<hbm>> -> memref<8x2048xf32, #tpu.memory_space<hbm>>
    %dma_start3A_321 = arith.constant 0 : i32
    %dma_start3A_322 = arith.constant 0 : i32
    %dma_start3A_323 = tpu.memref_slice %arg6[%dma_start3A_312, %dma_start3A_321, %dma_start3A_322] : memref<4x8x2048xf32, #tpu.memory_space<vmem>> -> memref<1x8x2048xf32, #tpu.memory_space<vmem>>
    %dma_start3A_324 = tpu.memref_squeeze %dma_start3A_323 : memref<1x8x2048xf32, #tpu.memory_space<vmem>> -> memref<8x2048xf32, #tpu.memory_space<vmem>>
    tpu.enqueue_dma source(%dma_start3A_324 : memref<8x2048xf32, #tpu.memory_space<vmem>>) target(%dma_start3A_320 : memref<8x2048xf32, #tpu.memory_space<hbm>>) target_semaphore(%arg13 : memref<!tpu.dma_semaphore, #tpu.memory_space<semaphore_mem>>)
    %dma_wait3A_325 = arith.constant 3 : i32
    %dma_wait3A_326 = arith.constant 0 : i32
    %dma_wait3A_327 = arith.constant 0 : i32
    %dma_wait3A_328 = tpu.memref_slice %arg6[%dma_wait3A_325, %dma_wait3A_326, %dma_wait3A_327] : memref<4x8x2048xf32, #tpu.memory_space<vmem>> -> memref<1x8x2048xf32, #tpu.memory_space<vmem>>
    %dma_wait3A_329 = tpu.memref_squeeze %dma_wait3A_328 : memref<1x8x2048xf32, #tpu.memory_space<vmem>> -> memref<8x2048xf32, #tpu.memory_space<vmem>>
    %dma_wait3A_330 = arith.constant 504 : i32
    %dma_wait3A_331 = tpu.memref_slice %arg5[%dma_wait3A_330] : memref<512xi32, #tpu.memory_space<vmem>> -> memref<8xi32, #tpu.memory_space<vmem>>
    %dma_wait3A_332 = arith.constant 0 : i32
    %dma_wait3A_333 = arith.constant 0 : i32
    %dma_wait3A_334 = tpu.memref_slice %arg3[%dma_wait3A_332, %dma_wait3A_333] : memref<8192x2048xf32, #tpu.memory_space<hbm>> -> memref<8192x2048xf32, #tpu.memory_space<hbm>>
    tpu.wait_indirect_dma semaphore(%arg10 : memref<!tpu.dma_semaphore, #tpu.memory_space<semaphore_mem>>) src(%dma_wait3A_334 : memref<8192x2048xf32, #tpu.memory_space<hbm>>) dst(%dma_wait3A_329 : memref<8x2048xf32, #tpu.memory_space<vmem>>)
    %add3A_335 = arith.constant 504 : i32
    %add3A_336 = arith.addi %mul3A_2, %add3A_335 : i32
    %dma_start3A_337 = arith.constant 3 : i32
    %dma_start3A_338 = arith.constant 0 : i32
    %dma_start3A_339 = arith.constant 0 : i32
    %dma_start3A_340 = tpu.memref_slice %arg6[%dma_start3A_337, %dma_start3A_338, %dma_start3A_339] : memref<4x8x2048xf32, #tpu.memory_space<vmem>> -> memref<1x8x2048xf32, #tpu.memory_space<vmem>>
    %dma_start3A_341 = tpu.memref_squeeze %dma_start3A_340 : memref<1x8x2048xf32, #tpu.memory_space<vmem>> -> memref<8x2048xf32, #tpu.memory_space<vmem>>
    %dma_start3A_342 = arith.constant 0 : i32
    %dma_start3A_343 = tpu.memref_slice %arg4[%add3A_336, %dma_start3A_342] : memref<16384x2048xf32, #tpu.memory_space<hbm>> -> memref<8x2048xf32, #tpu.memory_space<hbm>>
    %dma_start3A_344 = arith.constant 0 : i32
    %dma_start3A_345 = tpu.memref_slice %arg4[%add3A_336, %dma_start3A_344] : memref<16384x2048xf32, #tpu.memory_space<hbm>> -> memref<8x2048xf32, #tpu.memory_space<hbm>>
    %dma_start3A_346 = arith.constant 0 : i32
    %dma_start3A_347 = arith.constant 0 : i32
    %dma_start3A_348 = tpu.memref_slice %arg6[%dma_start3A_337, %dma_start3A_346, %dma_start3A_347] : memref<4x8x2048xf32, #tpu.memory_space<vmem>> -> memref<1x8x2048xf32, #tpu.memory_space<vmem>>
    %dma_start3A_349 = tpu.memref_squeeze %dma_start3A_348 : memref<1x8x2048xf32, #tpu.memory_space<vmem>> -> memref<8x2048xf32, #tpu.memory_space<vmem>>
    tpu.enqueue_dma source(%dma_start3A_349 : memref<8x2048xf32, #tpu.memory_space<vmem>>) target(%dma_start3A_345 : memref<8x2048xf32, #tpu.memory_space<hbm>>) target_semaphore(%arg14 : memref<!tpu.dma_semaphore, #tpu.memory_space<semaphore_mem>>)
    %add3A_350 = arith.constant 480 : i32
    %add3A_351 = arith.addi %mul3A_2, %add3A_350 : i32
    %dma_wait3A_352 = arith.constant 0 : i32
    %dma_wait3A_353 = arith.constant 0 : i32
    %dma_wait3A_354 = arith.constant 0 : i32
    %dma_wait3A_355 = tpu.memref_slice %arg6[%dma_wait3A_352, %dma_wait3A_353, %dma_wait3A_354] : memref<4x8x2048xf32, #tpu.memory_space<vmem>> -> memref<1x8x2048xf32, #tpu.memory_space<vmem>>
    %dma_wait3A_356 = tpu.memref_squeeze %dma_wait3A_355 : memref<1x8x2048xf32, #tpu.memory_space<vmem>> -> memref<8x2048xf32, #tpu.memory_space<vmem>>
    %dma_wait3A_357 = arith.constant 0 : i32
    %dma_wait3A_358 = tpu.memref_slice %arg4[%add3A_351, %dma_wait3A_357] : memref<16384x2048xf32, #tpu.memory_space<hbm>> -> memref<8x2048xf32, #tpu.memory_space<hbm>>
    %dma_wait3A_359 = arith.constant 0 : i32
    %dma_wait3A_360 = tpu.memref_slice %arg4[%add3A_351, %dma_wait3A_359] : memref<16384x2048xf32, #tpu.memory_space<hbm>> -> memref<8x2048xf32, #tpu.memory_space<hbm>>
    %dma_wait3A_361 = arith.constant 0 : i32
    %dma_wait3A_362 = arith.constant 0 : i32
    %dma_wait3A_363 = tpu.memref_slice %arg6[%dma_wait3A_352, %dma_wait3A_361, %dma_wait3A_362] : memref<4x8x2048xf32, #tpu.memory_space<vmem>> -> memref<1x8x2048xf32, #tpu.memory_space<vmem>>
    %dma_wait3A_364 = tpu.memref_squeeze %dma_wait3A_363 : memref<1x8x2048xf32, #tpu.memory_space<vmem>> -> memref<8x2048xf32, #tpu.memory_space<vmem>>
    tpu.wait_dma2 semaphore(%arg11 : memref<!tpu.dma_semaphore, #tpu.memory_space<semaphore_mem>>) src(%dma_wait3A_364 : memref<8x2048xf32, #tpu.memory_space<vmem>>) dst(%dma_wait3A_360 : memref<8x2048xf32, #tpu.memory_space<hbm>>)
    %add3A_365 = arith.constant 488 : i32
    %add3A_366 = arith.addi %mul3A_2, %add3A_365 : i32
    %dma_wait3A_367 = arith.constant 1 : i32
    %dma_wait3A_368 = arith.constant 0 : i32
    %dma_wait3A_369 = arith.constant 0 : i32
    %dma_wait3A_370 = tpu.memref_slice %arg6[%dma_wait3A_367, %dma_wait3A_368, %dma_wait3A_369] : memref<4x8x2048xf32, #tpu.memory_space<vmem>> -> memref<1x8x2048xf32, #tpu.memory_space<vmem>>
    %dma_wait3A_371 = tpu.memref_squeeze %dma_wait3A_370 : memref<1x8x2048xf32, #tpu.memory_space<vmem>> -> memref<8x2048xf32, #tpu.memory_space<vmem>>
    %dma_wait3A_372 = arith.constant 0 : i32
    %dma_wait3A_373 = tpu.memref_slice %arg4[%add3A_366, %dma_wait3A_372] : memref<16384x2048xf32, #tpu.memory_space<hbm>> -> memref<8x2048xf32, #tpu.memory_space<hbm>>
    %dma_wait3A_374 = arith.constant 0 : i32
    %dma_wait3A_375 = tpu.memref_slice %arg4[%add3A_366, %dma_wait3A_374] : memref<16384x2048xf32, #tpu.memory_space<hbm>> -> memref<8x2048xf32, #tpu.memory_space<hbm>>
    %dma_wait3A_376 = arith.constant 0 : i32
    %dma_wait3A_377 = arith.constant 0 : i32
    %dma_wait3A_378 = tpu.memref_slice %arg6[%dma_wait3A_367, %dma_wait3A_376, %dma_wait3A_377] : memref<4x8x2048xf32, #tpu.memory_space<vmem>> -> memref<1x8x2048xf32, #tpu.memory_space<vmem>>
    %dma_wait3A_379 = tpu.memref_squeeze %dma_wait3A_378 : memref<1x8x2048xf32, #tpu.memory_space<vmem>> -> memref<8x2048xf32, #tpu.memory_space<vmem>>
    tpu.wait_dma2 semaphore(%arg12 : memref<!tpu.dma_semaphore, #tpu.memory_space<semaphore_mem>>) src(%dma_wait3A_379 : memref<8x2048xf32, #tpu.memory_space<vmem>>) dst(%dma_wait3A_375 : memref<8x2048xf32, #tpu.memory_space<hbm>>)
    %add3A_380 = arith.constant 496 : i32
    %add3A_381 = arith.addi %mul3A_2, %add3A_380 : i32
    %dma_wait3A_382 = arith.constant 2 : i32
    %dma_wait3A_383 = arith.constant 0 : i32
    %dma_wait3A_384 = arith.constant 0 : i32
    %dma_wait3A_385 = tpu.memref_slice %arg6[%dma_wait3A_382, %dma_wait3A_383, %dma_wait3A_384] : memref<4x8x2048xf32, #tpu.memory_space<vmem>> -> memref<1x8x2048xf32, #tpu.memory_space<vmem>>
    %dma_wait3A_386 = tpu.memref_squeeze %dma_wait3A_385 : memref<1x8x2048xf32, #tpu.memory_space<vmem>> -> memref<8x2048xf32, #tpu.memory_space<vmem>>
    %dma_wait3A_387 = arith.constant 0 : i32
    %dma_wait3A_388 = tpu.memref_slice %arg4[%add3A_381, %dma_wait3A_387] : memref<16384x2048xf32, #tpu.memory_space<hbm>> -> memref<8x2048xf32, #tpu.memory_space<hbm>>
    %dma_wait3A_389 = arith.constant 0 : i32
    %dma_wait3A_390 = tpu.memref_slice %arg4[%add3A_381, %dma_wait3A_389] : memref<16384x2048xf32, #tpu.memory_space<hbm>> -> memref<8x2048xf32, #tpu.memory_space<hbm>>
    %dma_wait3A_391 = arith.constant 0 : i32
    %dma_wait3A_392 = arith.constant 0 : i32
    %dma_wait3A_393 = tpu.memref_slice %arg6[%dma_wait3A_382, %dma_wait3A_391, %dma_wait3A_392] : memref<4x8x2048xf32, #tpu.memory_space<vmem>> -> memref<1x8x2048xf32, #tpu.memory_space<vmem>>
    %dma_wait3A_394 = tpu.memref_squeeze %dma_wait3A_393 : memref<1x8x2048xf32, #tpu.memory_space<vmem>> -> memref<8x2048xf32, #tpu.memory_space<vmem>>
    tpu.wait_dma2 semaphore(%arg13 : memref<!tpu.dma_semaphore, #tpu.memory_space<semaphore_mem>>) src(%dma_wait3A_394 : memref<8x2048xf32, #tpu.memory_space<vmem>>) dst(%dma_wait3A_390 : memref<8x2048xf32, #tpu.memory_space<hbm>>)
    %add3A_395 = arith.constant 504 : i32
    %add3A_396 = arith.addi %mul3A_2, %add3A_395 : i32
    %dma_wait3A_397 = arith.constant 3 : i32
    %dma_wait3A_398 = arith.constant 0 : i32
    %dma_wait3A_399 = arith.constant 0 : i32
    %dma_wait3A_400 = tpu.memref_slice %arg6[%dma_wait3A_397, %dma_wait3A_398, %dma_wait3A_399] : memref<4x8x2048xf32, #tpu.memory_space<vmem>> -> memref<1x8x2048xf32, #tpu.memory_space<vmem>>
    %dma_wait3A_401 = tpu.memref_squeeze %dma_wait3A_400 : memref<1x8x2048xf32, #tpu.memory_space<vmem>> -> memref<8x2048xf32, #tpu.memory_space<vmem>>
    %dma_wait3A_402 = arith.constant 0 : i32
    %dma_wait3A_403 = tpu.memref_slice %arg4[%add3A_396, %dma_wait3A_402] : memref<16384x2048xf32, #tpu.memory_space<hbm>> -> memref<8x2048xf32, #tpu.memory_space<hbm>>
    %dma_wait3A_404 = arith.constant 0 : i32
    %dma_wait3A_405 = tpu.memref_slice %arg4[%add3A_396, %dma_wait3A_404] : memref<16384x2048xf32, #tpu.memory_space<hbm>> -> memref<8x2048xf32, #tpu.memory_space<hbm>>
    %dma_wait3A_406 = arith.constant 0 : i32
    %dma_wait3A_407 = arith.constant 0 : i32
    %dma_wait3A_408 = tpu.memref_slice %arg6[%dma_wait3A_397, %dma_wait3A_406, %dma_wait3A_407] : memref<4x8x2048xf32, #tpu.memory_space<vmem>> -> memref<1x8x2048xf32, #tpu.memory_space<vmem>>
    %dma_wait3A_409 = tpu.memref_squeeze %dma_wait3A_408 : memref<1x8x2048xf32, #tpu.memory_space<vmem>> -> memref<8x2048xf32, #tpu.memory_space<vmem>>
    tpu.wait_dma2 semaphore(%arg14 : memref<!tpu.dma_semaphore, #tpu.memory_space<semaphore_mem>>) src(%dma_wait3A_409 : memref<8x2048xf32, #tpu.memory_space<vmem>>) dst(%dma_wait3A_405 : memref<8x2048xf32, #tpu.memory_space<hbm>>)
    return
  }
}

</mosaic_0001>

<sc_bundles>
// kernel: kernel.3.cloned.1.call-start
scs
__scs_entry_jumppad:
0x0: {  	(pc) =	sbr.rel $0x88, $3  }
0x1: {  	(tag) =	ssettag $0x0;
	lr =	simm.s32 $0x1  }
0x2: {  	[smem:$0x3F9F] =	sst lr;
	_ =	strace $0xD0000000  }
0x3: {  	_ = 	snop  }
0x4: {  	_ = 	snop  }
0x5: {  	_ = 	snop  }
0x6: {  	_ = 	snop  }
0x7: {  	_ = 	snop  }
__scs_overlays_trampoline_lowered:
0x8: {  	[smem:$0x3FAE] =	sst s0  }
0x9: {  	[smem:$0x3FAF] =	sst s1  }
0xa: {  	[smem:$0x3FB0] =	sst s2  }
0xb: {  	[smem:$0x3FB1] =	sst s3  }
0xc: {  	[smem:$0x3FB2] =	sst s4  }
0xd: {  	[smem:$0x3FB3] =	sst s5  }
0xe: {  	[smem:$0x3FB4] =	sst s6  }
0xf: {  	[smem:$0x3FB5] =	sst s7  }
0x10: {  	[smem:$0x3FB6] =	sst s8  }
0x11: {  	[smem:$0x3FB7] =	sst s9;
	s0 =	simm.s32 @!p0 $0x0  }
0x12: {  	s1 =	sld [smem:$0x3F9D];
	s0 =	simm.s32 @p0 $0x1  }
0x13: {  	[smem:$0x3FB8] =	sst s0;
	s0 =	simm.s32 @!p1 $0x0  }
0x14: {  	s2 =	sld [smem:$0x3F9C];
	s0 =	simm.s32 @p1 $0x1  }
0x15: {  	[smem:$0x3FB9] =	sst s0;
	s0 =	simm.s32 @!p2 $0x0  }
0x16: {  	s3 =	sld [smem:$0x3FDB];
	s0 =	simm.s32 @p2 $0x1  }
0x17: {  	s4 =	simm.s32 $0x1BF5;
	[smem:$0x3FBB] =	sst s0  }
0x18: {  	s0 =	sld [smem:$0x3F9E];
	_ =	swait.ge [sflag:s4], $0x0  }
0x19: {  	s7 =	sld [smem:$0x3F9F]  }
0x1a: {  	s8 =	sadd.s32 $0xFFFFE003, lr  }
0x1b: {  	s9 =	sadd.s32 $0xFFFFFEF7, lr;
	s5 =	simm.s32 $0xFFFFFFFF;
	p2 =	slt.u32 s8, $0xFFFFF086  }
0x1c: {  	p1 =	slt.u32 s9, $0xF7A;
	s5 =	simm.s32 @!p2 $0x0  }
0x1d: {  	s5 =	simm.s32 @p1 $0x1;
	p0 =	seq.s32 s7, s2  }
0x1e: {  	s7 =	smul.u32 @!p0 $0xF7A, s2;
	p2 =	seq.s32 @!p0 s5, $0x0  }
0x1f: {  	s9 =	smul.u32 $0xF7A, s1;
	s8 =	simm.s32 @!p0 $0x1BF5;
	p2 =	por !p2, p0  }
0x20: {  	[sflag:s8] =	ssyncset.s32 @!p0 $0xFFFFF086;
	s6 =	sadd.s32 @!p0 s3, s7;
	s7 =	simm.s32 @!p0 $0x108  }
0x21: {  	s3 =	sadd.s32 s3, s9;
	s6 =	sadd.s32 @!p0 $0x88, s6;
	s7 =	simm.s32 @p2 $0x1082  }
0x22: {  	[simem:s7], [sflag:s8] =	dma.local @!p0 [hbm:s6], $0xF7A  }
0x23: {  	s9 =	sor.u32 $0xD0000000, s2;
	s6 =	simm.s32 $0x108;
	_ =	swait.ge @!p0 [sflag:s8], $0x0  }
0x24: {  	s3 =	sadd.s32 $0x88, s3;
	s6 =	simm.s32 @!p1 $0x1082;
	[sflag:s4] =	ssyncset.s32 $0xFFFFF086  }
0x25: {  	[simem:s6], [sflag:s4] =	dma.local [hbm:s3], $0xF7A  }
0x26: {  	[smem:$0x3F9F] =	sst s1;
	(tag) =	ssettag s2;
	_ =	strace s9  }
0x27: {  	s1 =	sld [smem:$0x3FAF]  }
0x28: {  	s2 =	sld [smem:$0x3FB0]  }
0x29: {  	s4 =	sld [smem:$0x3FB2]  }
0x2a: {  	p0 =	seq.s32 s5, $0x0;
	s5 =	sld [smem:$0x3FB3]  }
0x2b: {  	s6 =	sld [smem:$0x3FB4]  }
0x2c: {  	s7 =	sld [smem:$0x3FB5]  }
0x2d: {  	s3 =	simm.s32 $0x108;
	s8 =	sld [smem:$0x3FB6]  }
0x2e: {  	s3 =	simm.s32 @!p0 $0x1082;
	s9 =	sld [smem:$0x3FB7]  }
0x2f: {  	lr =	sadd.s32 s0, s3;
	s0 =	sld [smem:$0x3FAE]  }
0x30: {  	s3 =	sld [smem:$0x3FB1]  }
0x31: {  	[smem:$0x3FBA] =	sst s10  }
0x32: {  	s10 =	sld [smem:$0x3FB8];
	_ =	sdelay $0x3  }
0x33: {  	p0 =	seq.s32 s10, $0x1;
	s10 =	sld [smem:$0x3FBA];
	_ =	sdelay $0x3  }
0x34: {  	[smem:$0x3FBA] =	sst s10  }
0x35: {  	s10 =	sld [smem:$0x3FB9];
	_ =	sdelay $0x3  }
0x36: {  	p1 =	seq.s32 s10, $0x1;
	s10 =	sld [smem:$0x3FBA];
	_ =	sdelay $0x3  }
0x37: {  	[smem:$0x3FBA] =	sst s10  }
0x38: {  	s10 =	sld [smem:$0x3FBB]  }
0x39: {  	_ = 	snop;
	(pc) =	sbr.ind lr, $3  }
0x3a: {  	_ = 	snop  }
0x3b: {  	_ = 	snop  }
0x3c: {  	p2 =	seq.s32 s10, $0x1;
	s10 =	sld [smem:$0x3FBA]  }
0x3d: {  	_ =	shalt  }
0x3e: {  	_ =	shalt  }
0x3f: {  	_ =	shalt  }
0x40: {  	_ =	shalt  }
0x41: {  	_ =	shalt  }
0x42: {  	_ =	shalt  }
0x43: {  	_ =	shalt  }
0x44: {  	_ =	shalt  }
0x45: {  	_ =	shalt  }
0x46: {  	_ =	shalt  }
0x47: {  	_ =	shalt  }
0x48: {  	_ =	shalt  }
0x49: {  	_ =	shalt  }
0x4a: {  	_ =	shalt  }
0x4b: {  	_ =	shalt  }
0x4c: {  	_ =	shalt  }
0x4d: {  	_ =	shalt  }
0x4e: {  	_ =	shalt  }
0x4f: {  	_ =	shalt  }
0x50: {  	_ =	shalt  }
0x51: {  	_ =	shalt  }
0x52: {  	_ =	shalt  }
0x53: {  	_ =	shalt  }
0x54: {  	_ =	shalt  }
0x55: {  	_ =	shalt  }
0x56: {  	_ =	shalt  }
0x57: {  	_ =	shalt  }
0x58: {  	_ =	shalt  }
0x59: {  	_ =	shalt  }
0x5a: {  	_ =	shalt  }
0x5b: {  	_ =	shalt  }
0x5c: {  	_ =	shalt  }
0x5d: {  	_ =	shalt  }
0x5e: {  	_ =	shalt  }
0x5f: {  	_ =	shalt  }
0x60: {  	_ =	shalt  }
0x61: {  	_ =	shalt  }
0x62: {  	_ =	shalt  }
0x63: {  	_ =	shalt  }
0x64: {  	_ =	shalt  }
0x65: {  	_ =	shalt  }
0x66: {  	_ =	shalt  }
0x67: {  	_ =	shalt  }
0x68: {  	_ =	shalt  }
0x69: {  	_ =	shalt  }
0x6a: {  	_ =	shalt  }
0x6b: {  	_ =	shalt  }
0x6c: {  	_ =	shalt  }
0x6d: {  	_ =	shalt  }
0x6e: {  	_ =	shalt  }
0x6f: {  	_ =	shalt  }
0x70: {  	_ =	shalt  }
0x71: {  	_ =	shalt  }
0x72: {  	_ =	shalt  }
0x73: {  	_ =	shalt  }
0x74: {  	_ =	shalt  }
0x75: {  	_ =	shalt  }
0x76: {  	_ =	shalt  }
0x77: {  	_ =	shalt  }
0x78: {  	_ =	shalt  }
0x79: {  	_ =	shalt  }
0x7a: {  	_ =	shalt  }
0x7b: {  	_ =	shalt  }
0x7c: {  	_ =	shalt  }
0x7d: {  	_ =	shalt  }
0x7e: {  	_ =	shalt  }
0x7f: {  	_ =	shalt  }
0x80: {  	_ =	shalt  }
0x81: {  	_ =	shalt  }
0x82: {  	_ =	shalt  }
0x83: {  	_ =	shalt  }
0x84: {  	_ =	shalt  }
0x85: {  	_ =	shalt  }
0x86: {  	_ =	shalt  }
0x87: {  	_ =	shalt  }
.Lfunc_end0:
.L_simem_size_0:
called_computation_lowered:
.L_overlay_start_0:
0x88: {  	s2 =	sld [smem:$0x3FD9]  }
0x89: {  	s3 =	sld [smem:$0x3FFE];
	_ =	sdelay $0x1  }
0x8a: {  	s1 =	srdreg.scid  }
0x8b: {  	s0 =	sand.u32 $0x1, s1  }
0x8c: {  	s18 =	sshll.u32 s0, $0xA;
	s2 =	sadd.s32 s3, s2  }
0x8d: {  	s2 =	sadd.s32 s2, s18  }
0x8e: {  	[smem:$0x3FC6] =	sst s2  }
0x8f: {  	_ = 	snop  }
0x90: {  	s2 =	sld [smem:$0x3FC9]  }
0x91: {  	s19 =	sld [smem:$0x3FC8]  }
0x92: {  	s4 =	sld [smem:$0x3FD0];
	(tm) =	ssettm $0x1  }
0x93: {  	s5 =	sld [smem:$0x3FFB];
	_ =	sdelay $0x3  }
0x94: {  	_ =	strace s5  }
0x95: {  	s5 =	sld [smem:$0x3FFC];
	_ =	sdelay $0x3  }
0x96: {  	_ =	strace s5  }
0x97: {  	s5 =	sld [smem:$0x3FFD];
	_ =	sdelay $0x3  }
0x98: {  	_ =	strace s5  }
0x99: {  	_ =	strace $0x8FFFFFFF  }
0x9a: {  	s20 =	sld [smem:$0x3FDB];
	_ =	sdelay $0x1  }
0x9b: {  	s6 =	simm.s32 $_scs_section_size  }
0x9c: {  	s7 =	simm.s32 $_size__tile_overlayer_lowered;
	s8 =	simm.s32 $_tile_overlayer_lowered  }
0x9d: {  	s23 =	simm.s32 $0x1BFF;
	s22 =	sshll.u32 s8, $0x1;
	s5 =	sadd.s32 s6, s20  }
0x9e: {  	s9 =	simm.s32 $0x0;
	s21 =	sshll.u32 s7, $0x1;
	s7 =	sadd.s32 s22, s5  }
0x9f: {  	[timem:s9], [sflag:s23] =	dma.local [hbm:s7], s21  }
0xa0: {  	_ =	swait.ge [sflag:s23], s21  }
0xa1: {  	s6 =	ssub.s32 $0x0, s21;
	[sflag:s23] =	ssyncset.done $0x0  }
0xa2: {  	[sflag:s23] =	ssyncadd.s32 s6;
	_ =	sdelay $0x1  }
0xa3: {  	s24 =	simm.s32 $0x1B8B  }
0xa4: {  	_ =	swait.ge [sflag:s24], $0x1  }
0xa5: {  	[sflag:s24] =	ssyncset.done $0x0  }
0xa6: {  	s25 =	simm.s32 $0x1B8E;
	[sflag:s24] =	ssyncadd.s32 $0xFFFFFFFF  }
0xa7: {  	s26 =	simm.s32 $execute0_lowered;
	[smem:$0x3FD2] =	sst s25  }
0xa8: {  	s6 =	sshll.u32 s26, $0x1;
	_ =	strace $0x80000046;
	[dreg:$0x1] =	wrdreg $0xFFFFFFFF  }
0xa9: {  	s28 =	simm.s32 $_size_execute0_lowered;
	s5 =	sadd.s32 s5, s6;
	[dreg:$0x0] =	wrdreg $0x0  }
0xaa: {  	s6 =	sshll.u32 s28, $0x1;
	[dreg:$0x2] =	wrdreg s5  }
0xab: {  	[dreg:$0x3] =	wrdreg s6  }
0xac: {  	[dreg:$0x4] =	wrdreg $0xC0  }
0xad: {  	_ =	task [dreg:s9], $0x5FFFF  }
0xae: {  	[dreg:$0x1] =	wrdreg $0xFFFFFFFF  }
0xaf: {  	[dreg:$0x0] =	wrdreg $0x60  }
0xb0: {  	[dreg:$0x2] =	wrdreg s2  }
0xb1: {  	[dreg:$0x3] =	wrdreg s19  }
0xb2: {  	[dreg:$0x4] =	wrdreg s4  }
0xb3: {  	[dreg:$0x5] =	wrdreg $0x9  }
0xb4: {  	_ =	task.clear_ibuf [dreg:s9], $0x6FFFF;
	_ =	strace $0x90000046  }
0xb5: {  	s29 =	simm.s32 $0x9;
	_ =	strace $0x80000048  }
0xb6: {  	_ =	swait.ge [sflag:s29], $0x1  }
0xb7: {  	[sflag:s29] =	ssyncadd.s32 $0xFFFFFFFF  }
0xb8: {  	_ =	strace $0x90000048  }
0xb9: {  	_ =	sfence  }
0xba: {  	s30 =	sld [smem:$0x0];
	_ =	sdelay $0x2  }
0xbb: {  	s31 =	sshll.u32 s1, $0xD;
	s1 =	sshrl.u32 s1, $0x2  }
0xbc: {  	s3 =	sand.u32 $0x4000, s31;
	s1 =	sadd.s32 s1, s30  }
0xbd: {  	s0 =	sor.u32 s3, s0;
	s1 =	sshll.u32 s1, $0x11  }
0xbe: {  	s0 =	sor.u32 s1, s0  }
0xbf: {  	s0 =	sadd.s32 $0x8F2B, s0  }
0xc0: {  	[sflag:s0] =	ssyncadd.remote.s32 $0x1  }
0xc1: {  	_ =	sfence.sel $0xFFFF  }
0xc2: {  	[dreg:$0x0] =	wrdreg $0xFFFFFFFF;
	(pc) =	sbr.abs _section_cstart, $3  }
0xc3: {  	[dreg:$0x1] =	wrdreg $0xFFFFFFFF  }
0xc4: {  	_ =	task.clear_ibuf [dreg:s9], $0x2FFFF;
	_ =	strace $0x9FFFFFFF  }
0xc5: {  	(tm) =	ssettm $0x7FFFFFFF  }
tec
execute0_lowered:
.L_overlay_start_1:
0x0: {  	(tag) =	ssettag $0x1  }
0x1: {  	s0 =	rddreg [dreg:$0x0]  }
0x2: {  	s1 =	rddreg [dreg:$0x1]  }
0x3: {  	s2 =	rddreg [dreg:$0x2];
	s3 =	simm.s32 $0x0;
	s4 =	srdreg.scid  }
0x4: {  	s13 =	stileid.u32;
	s29 =	simm.s32 $0x1200;
	s30 =	simm.s32 $0x1A00  }
0x5: {  	s28 =	simm.s32 $0x4A00;
	s31 =	simm.s32 $0x5A00;
	[smem:$0x7FF] =	sst s3  }
0x6: {  	s4 =	sand.u32 $0x1, s4;
	s5 =	sshll.u32 s13, $0x1;
	s15 =	sshll.u32 s13, $0x2  }
0x7: {  	s10 =	sadd.s32 $0x600, s1;
	s12 =	sadd.s32 $0x700, s1;
	s21 =	sshll.u32 s13, $0x12  }
0x8: {  	s13 =	simm.s32 $0x3A00;
	_ =	strace $0x80000047;
	s6 =	ssub.s32 $0x2, s4  }
0x9: {  	s9 =	sor.u32 s4, s5;
	s5 =	sand.u32 $0x30, s15;
	s23 =	sshll.u32 s4, $0x11  }
0xa: {  	s4 =	simm.s32 $0x3200;
	s15 =	simm.s32 $0x5;
	s7 =	sshrl.u32 s6, $0x1  }
0xb: {  	s8 =	sshll.u32 s9, $0x8;
	s0 =	sadd.s32 s0, s5;
	s17 =	sshll.u32 s9, $0x11  }
0xc: {  	s5 =	sadd.s32 $0x100, s1;
	s16 =	sand.u32 $0x700, s8;
	s14 =	sadd.s32 s2, s17  }
0xd: {  	s9 =	sadd.s32 $0x500, s1;
	s0 =	sadd.s32 s16, s0;
	[dreg:$0x6] =	wrdreg s14  }
0xe: {  	s11 =	ssub.s32 s6, s7;
	s18 =	sadd.s32 $0x1000, s14;
	[dreg:$0x5] =	wrdreg s0  }
0xf: {  	s6 =	sadd.s32 $0x200, s1;
	s19 =	sadd.s32 $0x1800, s14;
	[dreg:$0x8] =	wrdreg s18  }
0x10: {  	s7 =	sadd.s32 $0x300, s1;
	s20 =	sadd.s32 $0x1E000, s14;
	[dreg:$0x9] =	wrdreg s19  }
0x11: {  	s8 =	sadd.s32 $0x400, s1;
	s22 =	sadd.s32 $0x1E800, s14;
	[dreg:$0xa] =	wrdreg s20  }
0x12: {  	s17 =	simm.s32 $0x5200;
	s24 =	sadd.s32 $0x1F000, s14;
	[dreg:$0xb] =	wrdreg s22  }
0x13: {  	s25 =	sadd.s32 $0x1F800, s14;
	s26 =	smax.u32 s11, $0x1;
	[dreg:$0xc] =	wrdreg s24  }
0x14: {  	s16 =	simm.s32 $0x3;
	s11 =	simm.s32 $0x8;
	[dreg:$0xd] =	wrdreg s25  }
0x15: {  	s0 =	sadd.s32 $0x800, s14;
	[dreg:$0xe] =	wrdreg s26;
	s25 =	simm.s32 $0xA00  }
0x16: {  	s26 =	simm.s32 $0x1;
	s14 =	simm.s32 $0x2;
	s18 =	simm.s32 $0x6  }
0x17: {  	v0 =	vlaneseq.u32;
	s19 =	simm.s32 $0x7;
	[dreg:$0x7] =	wrdreg s0;
	s0 =	sadd.s32 s21, s2  }
0x18: {  	v1 =	vshrl.u32 v0, $0x3;
	s20 =	simm.s32 $0x4;
	s2 =	simm.s32 $0x2200;
	s0 =	sadd.s32 s23, s0  }
0x19: {  	vm0 =	vmmov $0xffff;
	v0 =	vand.u32 $0x7, v0;
	v1 =	vmul.u32 $0x8, v1;
	s21 =	simm.s32 $0x2A00;
	[dreg:$0x4] =	wrdreg s0;
	s0 =	simm.s32 $0x0  }
.LBB2_1:
0x1a: {  	[dreg:$0xf] =	wrdreg s0  }
0x1b: {  	s23 =	rddreg [dreg:$0x5]  }
0x1c: {  	s24 =	simm.s32 $0x80;
	s22 =	simm.s32 $0x200;
	s0 =	simm.s32 $0x9  }
0x1d: {  	[tilespmem:s3], [sflag:$0x9] =	stream.strided.gather [hbm4b:s23+s24], $0x200, s22, s24, $0x38;
	[tilespmem:$0x10200] =	vst v63  }
0x1e: {  	_ =	swait.ge [sflag:s0], $0x200  }
0x1f: {  	[sflag:s0] =	ssyncset.done $0x0  }
0x20: {  	[sflag:s0] =	ssyncadd.s32 $0xFFFFFE00  }
0x21: {  	v2 =	vld.msk [tilespmem:$0x0], $0xff;
	_ =	sdelay $0x4  }
0x22: {  	v3 =	vshll.u32 v2, $0x4  }
0x23: {  	v2 =	vand.u32 $0x7, v2;
	v3 =	vand.u32 $0xFFFFFF80, v3  }
0x24: {  	v2 =	vor.u32 v2, v3  }
0x25: {  	v2 =	vperm.xlane v2, v0;
	_ =	sdelay $0x1  }
0x26: {  	v2 =	vadd.s32 v1, v2;
	_ =	sdelay $0x4  }
0x27: {  	[tilespmem:s22], [sflag:$0x1] =	stream.indirect_vreg.gather [hbm4b:s1+s3], $0x80, v2, vm0, $0xb8;
	[tilespmem:$0x10200] =	vst v63  }
0x28: {  	_ = 	snop  }
0x29: {  	[tilespmem:s25], [sflag:$0x1] =	stream.indirect_vreg.gather [hbm4b:s5+s3], $0x80, v2, vm0, $0xb8;
	[tilespmem:$0x10200] =	vst v63  }
0x2a: {  	_ = 	snop  }
0x2b: {  	[tilespmem:s29], [sflag:$0x1] =	stream.indirect_vreg.gather [hbm4b:s6+s3], $0x80, v2, vm0, $0xb8;
	[tilespmem:$0x10200] =	vst v63  }
0x2c: {  	_ = 	snop  }
0x2d: {  	[tilespmem:s30], [sflag:$0x1] =	stream.indirect_vreg.gather [hbm4b:s7+s3], $0x80, v2, vm0, $0xb8;
	[tilespmem:$0x10200] =	vst v63  }
0x2e: {  	_ = 	snop  }
0x2f: {  	[tilespmem:s2], [sflag:$0x1] =	stream.indirect_vreg.gather [hbm4b:s8+s3], $0x80, v2, vm0, $0xb8;
	[tilespmem:$0x10200] =	vst v63  }
0x30: {  	_ = 	snop  }
0x31: {  	[tilespmem:s21], [sflag:$0x1] =	stream.indirect_vreg.gather [hbm4b:s9+s3], $0x80, v2, vm0, $0xb8;
	[tilespmem:$0x10200] =	vst v63  }
0x32: {  	_ = 	snop  }
0x33: {  	[tilespmem:s4], [sflag:$0x1] =	stream.indirect_vreg.gather [hbm4b:s10+s3], $0x80, v2, vm0, $0xb8;
	[tilespmem:$0x10200] =	vst v63  }
0x34: {  	_ = 	snop  }
0x35: {  	[tilespmem:s13], [sflag:$0x1] =	stream.indirect_vreg.gather [hbm4b:s12+s3], $0x80, v2, vm0, $0xb8;
	[tilespmem:$0x10200] =	vst v63  }
0x36: {  	v2 =	vld.msk [tilespmem:$0x8], $0xff;
	_ =	sdelay $0x4  }
0x37: {  	v3 =	vshll.u32 v2, $0x4  }
0x38: {  	v2 =	vand.u32 $0x7, v2;
	v3 =	vand.u32 $0xFFFFFF80, v3  }
0x39: {  	v2 =	vor.u32 v2, v3  }
0x3a: {  	v2 =	vperm.xlane v2, v0;
	_ =	sdelay $0x1  }
0x3b: {  	v2 =	vadd.s32 v1, v2;
	_ =	sdelay $0x3  }
0x3c: {  	s0 =	simm.s32 $0x4200  }
0x3d: {  	[tilespmem:s0], [sflag:$0x2] =	stream.indirect_vreg.gather [hbm4b:s1+s3], $0x80, v2, vm0, $0xb8;
	[tilespmem:$0x10200] =	vst v63  }
0x3e: {  	_ = 	snop  }
0x3f: {  	[tilespmem:s28], [sflag:$0x2] =	stream.indirect_vreg.gather [hbm4b:s5+s3], $0x80, v2, vm0, $0xb8;
	[tilespmem:$0x10200] =	vst v63  }
0x40: {  	_ = 	snop  }
0x41: {  	[tilespmem:s17], [sflag:$0x2] =	stream.indirect_vreg.gather [hbm4b:s6+s3], $0x80, v2, vm0, $0xb8;
	[tilespmem:$0x10200] =	vst v63  }
0x42: {  	_ = 	snop  }
0x43: {  	[tilespmem:s31], [sflag:$0x2] =	stream.indirect_vreg.gather [hbm4b:s7+s3], $0x80, v2, vm0, $0xb8;
	[tilespmem:$0x10200] =	vst v63  }
0x44: {  	s24 =	simm.s32 $0x6200  }
0x45: {  	[tilespmem:s24], [sflag:$0x2] =	stream.indirect_vreg.gather [hbm4b:s8+s3], $0x80, v2, vm0, $0xb8;
	[tilespmem:$0x10200] =	vst v63  }
0x46: {  	s24 =	simm.s32 $0x6A00  }
0x47: {  	[tilespmem:s24], [sflag:$0x2] =	stream.indirect_vreg.gather [hbm4b:s9+s3], $0x80, v2, vm0, $0xb8;
	[tilespmem:$0x10200] =	vst v63  }
0x48: {  	s24 =	simm.s32 $0x7200  }
0x49: {  	[tilespmem:s24], [sflag:$0x2] =	stream.indirect_vreg.gather [hbm4b:s10+s3], $0x80, v2, vm0, $0xb8;
	[tilespmem:$0x10200] =	vst v63  }
0x4a: {  	s24 =	simm.s32 $0x7A00  }
0x4b: {  	[tilespmem:s24], [sflag:$0x2] =	stream.indirect_vreg.gather [hbm4b:s12+s3], $0x80, v2, vm0, $0xb8;
	[tilespmem:$0x10200] =	vst v63  }
0x4c: {  	v2 =	vld.msk [tilespmem:$0x10], $0xff;
	_ =	sdelay $0x4  }
0x4d: {  	v3 =	vshll.u32 v2, $0x4  }
0x4e: {  	v2 =	vand.u32 $0x7, v2;
	v3 =	vand.u32 $0xFFFFFF80, v3  }
0x4f: {  	v2 =	vor.u32 v2, v3  }
0x50: {  	v2 =	vperm.xlane v2, v0;
	_ =	sdelay $0x1  }
0x51: {  	v2 =	vadd.s32 v1, v2;
	_ =	sdelay $0x3  }
0x52: {  	s24 =	simm.s32 $0x8200  }
0x53: {  	[tilespmem:s24], [sflag:$0x3] =	stream.indirect_vreg.gather [hbm4b:s1+s3], $0x80, v2, vm0, $0xb8;
	[tilespmem:$0x10200] =	vst v63  }
0x54: {  	s23 =	simm.s32 $0x8A00  }
0x55: {  	[tilespmem:s23], [sflag:$0x3] =	stream.indirect_vreg.gather [hbm4b:s5+s3], $0x80, v2, vm0, $0xb8;
	[tilespmem:$0x10200] =	vst v63  }
0x56: {  	s23 =	simm.s32 $0x9200  }
0x57: {  	[tilespmem:s23], [sflag:$0x3] =	stream.indirect_vreg.gather [hbm4b:s6+s3], $0x80, v2, vm0, $0xb8;
	[tilespmem:$0x10200] =	vst v63  }
0x58: {  	s23 =	simm.s32 $0x9A00  }
0x59: {  	[tilespmem:s23], [sflag:$0x3] =	stream.indirect_vreg.gather [hbm4b:s7+s3], $0x80, v2, vm0, $0xb8;
	[tilespmem:$0x10200] =	vst v63  }
0x5a: {  	s23 =	simm.s32 $0xA200  }
0x5b: {  	[tilespmem:s23], [sflag:$0x3] =	stream.indirect_vreg.gather [hbm4b:s8+s3], $0x80, v2, vm0, $0xb8;
	[tilespmem:$0x10200] =	vst v63  }
0x5c: {  	s23 =	simm.s32 $0xAA00  }
0x5d: {  	[tilespmem:s23], [sflag:$0x3] =	stream.indirect_vreg.gather [hbm4b:s9+s3], $0x80, v2, vm0, $0xb8;
	[tilespmem:$0x10200] =	vst v63  }
0x5e: {  	s23 =	simm.s32 $0xB200  }
0x5f: {  	[tilespmem:s23], [sflag:$0x3] =	stream.indirect_vreg.gather [hbm4b:s10+s3], $0x80, v2, vm0, $0xb8;
	[tilespmem:$0x10200] =	vst v63  }
0x60: {  	s23 =	simm.s32 $0xBA00  }
0x61: {  	[tilespmem:s23], [sflag:$0x3] =	stream.indirect_vreg.gather [hbm4b:s12+s3], $0x80, v2, vm0, $0xb8;
	[tilespmem:$0x10200] =	vst v63  }
0x62: {  	_ =	swait.ge [sflag:s26], $0x4000  }
0x63: {  	[sflag:s26] =	ssyncset.done $0x0  }
0x64: {  	s23 =	rddreg [dreg:$0x6];
	[sflag:s26] =	ssyncadd.s32 $0xFFFFC000  }
0x65: {  	[hbm4b:s23+s3] =	stream.linear.scatter [tilespmem:s22], [sflag:$0x5], $0x4000, $0x38;
	[tilespmem:$0x10200] =	vst v63  }
0x66: {  	v2 =	vld.msk [tilespmem:$0x18], $0xff;
	_ =	sdelay $0x4  }
0x67: {  	v3 =	vshll.u32 v2, $0x4  }
0x68: {  	v2 =	vand.u32 $0x7, v2;
	v3 =	vand.u32 $0xFFFFFF80, v3  }
0x69: {  	v2 =	vor.u32 v2, v3  }
0x6a: {  	v2 =	vperm.xlane v2, v0;
	_ =	sdelay $0x1  }
0x6b: {  	v2 =	vadd.s32 v1, v2;
	_ =	sdelay $0x3  }
0x6c: {  	s23 =	simm.s32 $0xC200  }
0x6d: {  	[tilespmem:s23], [sflag:$0x4] =	stream.indirect_vreg.gather [hbm4b:s1+s3], $0x80, v2, vm0, $0xb8;
	[tilespmem:$0x10200] =	vst v63  }
0x6e: {  	s23 =	simm.s32 $0xCA00  }
0x6f: {  	[tilespmem:s23], [sflag:$0x4] =	stream.indirect_vreg.gather [hbm4b:s5+s3], $0x80, v2, vm0, $0xb8;
	[tilespmem:$0x10200] =	vst v63  }
0x70: {  	s23 =	simm.s32 $0xD200  }
0x71: {  	[tilespmem:s23], [sflag:$0x4] =	stream.indirect_vreg.gather [hbm4b:s6+s3], $0x80, v2, vm0, $0xb8;
	[tilespmem:$0x10200] =	vst v63  }
0x72: {  	s23 =	simm.s32 $0xDA00  }
0x73: {  	[tilespmem:s23], [sflag:$0x4] =	stream.indirect_vreg.gather [hbm4b:s7+s3], $0x80, v2, vm0, $0xb8;
	[tilespmem:$0x10200] =	vst v63  }
0x74: {  	s23 =	simm.s32 $0xE200  }
0x75: {  	[tilespmem:s23], [sflag:$0x4] =	stream.indirect_vreg.gather [hbm4b:s8+s3], $0x80, v2, vm0, $0xb8;
	[tilespmem:$0x10200] =	vst v63  }
0x76: {  	s23 =	simm.s32 $0xEA00  }
0x77: {  	[tilespmem:s23], [sflag:$0x4] =	stream.indirect_vreg.gather [hbm4b:s9+s3], $0x80, v2, vm0, $0xb8;
	[tilespmem:$0x10200] =	vst v63  }
0x78: {  	s23 =	simm.s32 $0xF200  }
0x79: {  	[tilespmem:s23], [sflag:$0x4] =	stream.indirect_vreg.gather [hbm4b:s10+s3], $0x80, v2, vm0, $0xb8;
	[tilespmem:$0x10200] =	vst v63  }
0x7a: {  	s23 =	simm.s32 $0xFA00  }
0x7b: {  	[tilespmem:s23], [sflag:$0x4] =	stream.indirect_vreg.gather [hbm4b:s12+s3], $0x80, v2, vm0, $0xb8;
	[tilespmem:$0x10200] =	vst v63  }
0x7c: {  	_ =	swait.ge [sflag:s14], $0x4000  }
0x7d: {  	[sflag:s14] =	ssyncset.done $0x0  }
0x7e: {  	s23 =	rddreg [dreg:$0x7];
	[sflag:s14] =	ssyncadd.s32 $0xFFFFC000  }
0x7f: {  	[hbm4b:s23+s3] =	stream.linear.scatter [tilespmem:s0], [sflag:$0x6], $0x4000, $0x38;
	[tilespmem:$0x10200] =	vst v63  }
0x80: {  	_ =	swait.ge [sflag:s15], $0x4000  }
0x81: {  	[sflag:s15] =	ssyncset.done $0x0  }
0x82: {  	[sflag:s15] =	ssyncadd.s32 $0xFFFFC000  }
0x83: {  	v2 =	vld.msk [tilespmem:$0x20], $0xff;
	_ =	sdelay $0x4  }
0x84: {  	v3 =	vshll.u32 v2, $0x4  }
0x85: {  	v2 =	vand.u32 $0x7, v2;
	v3 =	vand.u32 $0xFFFFFF80, v3  }
0x86: {  	v2 =	vor.u32 v2, v3  }
0x87: {  	v2 =	vperm.xlane v2, v0;
	_ =	sdelay $0x1  }
0x88: {  	v2 =	vadd.s32 v1, v2;
	_ =	sdelay $0x4  }
0x89: {  	[tilespmem:s22], [sflag:$0x1] =	stream.indirect_vreg.gather [hbm4b:s1+s3], $0x80, v2, vm0, $0xb8;
	[tilespmem:$0x10200] =	vst v63  }
0x8a: {  	_ = 	snop  }
0x8b: {  	[tilespmem:s25], [sflag:$0x1] =	stream.indirect_vreg.gather [hbm4b:s5+s3], $0x80, v2, vm0, $0xb8;
	[tilespmem:$0x10200] =	vst v63  }
0x8c: {  	_ = 	snop  }
0x8d: {  	[tilespmem:s29], [sflag:$0x1] =	stream.indirect_vreg.gather [hbm4b:s6+s3], $0x80, v2, vm0, $0xb8;
	[tilespmem:$0x10200] =	vst v63  }
0x8e: {  	_ = 	snop  }
0x8f: {  	[tilespmem:s30], [sflag:$0x1] =	stream.indirect_vreg.gather [hbm4b:s7+s3], $0x80, v2, vm0, $0xb8;
	[tilespmem:$0x10200] =	vst v63  }
0x90: {  	_ = 	snop  }
0x91: {  	[tilespmem:s2], [sflag:$0x1] =	stream.indirect_vreg.gather [hbm4b:s8+s3], $0x80, v2, vm0, $0xb8;
	[tilespmem:$0x10200] =	vst v63  }
0x92: {  	_ = 	snop  }
0x93: {  	[tilespmem:s21], [sflag:$0x1] =	stream.indirect_vreg.gather [hbm4b:s9+s3], $0x80, v2, vm0, $0xb8;
	[tilespmem:$0x10200] =	vst v63  }
0x94: {  	_ = 	snop  }
0x95: {  	[tilespmem:s4], [sflag:$0x1] =	stream.indirect_vreg.gather [hbm4b:s10+s3], $0x80, v2, vm0, $0xb8;
	[tilespmem:$0x10200] =	vst v63  }
0x96: {  	_ = 	snop  }
0x97: {  	[tilespmem:s13], [sflag:$0x1] =	stream.indirect_vreg.gather [hbm4b:s12+s3], $0x80, v2, vm0, $0xb8;
	[tilespmem:$0x10200] =	vst v63  }
0x98: {  	_ =	swait.ge [sflag:s16], $0x4000  }
0x99: {  	[sflag:s16] =	ssyncset.done $0x0  }
0x9a: {  	s25 =	rddreg [dreg:$0x8];
	[sflag:s16] =	ssyncadd.s32 $0xFFFFC000  }
0x9b: {  	[hbm4b:s25+s3] =	stream.linear.scatter [tilespmem:s24], [sflag:$0x7], $0x4000, $0x38;
	[tilespmem:$0x10200] =	vst v63  }
0x9c: {  	_ =	swait.ge [sflag:s18], $0x4000  }
0x9d: {  	[sflag:s18] =	ssyncset.done $0x0  }
0x9e: {  	[sflag:s18] =	ssyncadd.s32 $0xFFFFC000  }
0x9f: {  	v2 =	vld.msk [tilespmem:$0x28], $0xff;
	_ =	sdelay $0x4  }
0xa0: {  	v3 =	vshll.u32 v2, $0x4  }
0xa1: {  	v2 =	vand.u32 $0x7, v2;
	v3 =	vand.u32 $0xFFFFFF80, v3  }
0xa2: {  	v2 =	vor.u32 v2, v3  }
0xa3: {  	v2 =	vperm.xlane v2, v0;
	_ =	sdelay $0x1  }
0xa4: {  	v2 =	vadd.s32 v1, v2;
	_ =	sdelay $0x4  }
0xa5: {  	[tilespmem:s0], [sflag:$0x2] =	stream.indirect_vreg.gather [hbm4b:s1+s3], $0x80, v2, vm0, $0xb8;
	[tilespmem:$0x10200] =	vst v63  }
0xa6: {  	_ = 	snop  }
0xa7: {  	[tilespmem:s28], [sflag:$0x2] =	stream.indirect_vreg.gather [hbm4b:s5+s3], $0x80, v2, vm0, $0xb8;
	[tilespmem:$0x10200] =	vst v63  }
0xa8: {  	_ = 	snop  }
0xa9: {  	[tilespmem:s17], [sflag:$0x2] =	stream.indirect_vreg.gather [hbm4b:s6+s3], $0x80, v2, vm0, $0xb8;
	[tilespmem:$0x10200] =	vst v63  }
0xaa: {  	_ = 	snop  }
0xab: {  	[tilespmem:s31], [sflag:$0x2] =	stream.indirect_vreg.gather [hbm4b:s7+s3], $0x80, v2, vm0, $0xb8;
	[tilespmem:$0x10200] =	vst v63  }
0xac: {  	s28 =	simm.s32 $0x6200  }
0xad: {  	[tilespmem:s28], [sflag:$0x2] =	stream.indirect_vreg.gather [hbm4b:s8+s3], $0x80, v2, vm0, $0xb8;
	[tilespmem:$0x10200] =	vst v63  }
0xae: {  	s29 =	simm.s32 $0x6A00  }
0xaf: {  	[tilespmem:s29], [sflag:$0x2] =	stream.indirect_vreg.gather [hbm4b:s9+s3], $0x80, v2, vm0, $0xb8;
	[tilespmem:$0x10200] =	vst v63  }
0xb0: {  	s2 =	simm.s32 $0x7200  }
0xb1: {  	[tilespmem:s2], [sflag:$0x2] =	stream.indirect_vreg.gather [hbm4b:s10+s3], $0x80, v2, vm0, $0xb8;
	[tilespmem:$0x10200] =	vst v63  }
0xb2: {  	s4 =	simm.s32 $0x7A00  }
0xb3: {  	[tilespmem:s4], [sflag:$0x2] =	stream.indirect_vreg.gather [hbm4b:s12+s3], $0x80, v2, vm0, $0xb8;
	[tilespmem:$0x10200] =	vst v63  }
0xb4: {  	_ =	swait.ge [sflag:s19], $0x4000  }
0xb5: {  	[sflag:s19] =	ssyncset.done $0x0  }
0xb6: {  	[sflag:s19] =	ssyncadd.s32 $0xFFFFC000  }
0xb7: {  	v2 =	vld.msk [tilespmem:$0x30], $0xff;
	_ =	sdelay $0x4  }
0xb8: {  	v3 =	vshll.u32 v2, $0x4  }
0xb9: {  	v2 =	vand.u32 $0x7, v2;
	v3 =	vand.u32 $0xFFFFFF80, v3  }
0xba: {  	v2 =	vor.u32 v2, v3  }
0xbb: {  	v2 =	vperm.xlane v2, v0;
	_ =	sdelay $0x1  }
0xbc: {  	v2 =	vadd.s32 v1, v2;
	_ =	sdelay $0x4  }
0xbd: {  	[tilespmem:s24], [sflag:$0x3] =	stream.indirect_vreg.gather [hbm4b:s1+s3], $0x80, v2, vm0, $0xb8;
	[tilespmem:$0x10200] =	vst v63  }
0xbe: {  	s13 =	simm.s32 $0x8A00  }
0xbf: {  	[tilespmem:s13], [sflag:$0x3] =	stream.indirect_vreg.gather [hbm4b:s5+s3], $0x80, v2, vm0, $0xb8;
	[tilespmem:$0x10200] =	vst v63  }
0xc0: {  	s17 =	simm.s32 $0x9200  }
0xc1: {  	[tilespmem:s17], [sflag:$0x3] =	stream.indirect_vreg.gather [hbm4b:s6+s3], $0x80, v2, vm0, $0xb8;
	[tilespmem:$0x10200] =	vst v63  }
0xc2: {  	s21 =	simm.s32 $0x9A00  }
0xc3: {  	[tilespmem:s21], [sflag:$0x3] =	stream.indirect_vreg.gather [hbm4b:s7+s3], $0x80, v2, vm0, $0xb8;
	[tilespmem:$0x10200] =	vst v63  }
0xc4: {  	s22 =	simm.s32 $0xA200  }
0xc5: {  	[tilespmem:s22], [sflag:$0x3] =	stream.indirect_vreg.gather [hbm4b:s8+s3], $0x80, v2, vm0, $0xb8;
	[tilespmem:$0x10200] =	vst v63  }
0xc6: {  	s23 =	simm.s32 $0xAA00  }
0xc7: {  	[tilespmem:s23], [sflag:$0x3] =	stream.indirect_vreg.gather [hbm4b:s9+s3], $0x80, v2, vm0, $0xb8;
	[tilespmem:$0x10200] =	vst v63  }
0xc8: {  	s30 =	simm.s32 $0xA00;
	s24 =	simm.s32 $0xB200  }
0xc9: {  	[tilespmem:s24], [sflag:$0x3] =	stream.indirect_vreg.gather [hbm4b:s10+s3], $0x80, v2, vm0, $0xb8;
	[tilespmem:$0x10200] =	vst v63  }
0xca: {  	s25 =	simm.s32 $0xBA00;
	s31 =	simm.s32 $0x1200;
	s29 =	simm.s32 $0xC200  }
0xcb: {  	[tilespmem:s25], [sflag:$0x3] =	stream.indirect_vreg.gather [hbm4b:s12+s3], $0x80, v2, vm0, $0xb8;
	[tilespmem:$0x10200] =	vst v63  }
0xcc: {  	s2 =	simm.s32 $0x5200;
	s4 =	simm.s32 $0x5A00;
	_ =	swait.ge [sflag:s20], $0x4000  }
0xcd: {  	s21 =	simm.s32 $0x2200;
	s23 =	simm.s32 $0x50;
	[sflag:s20] =	ssyncset.done $0x0  }
0xce: {  	s24 =	simm.s32 $0x0;
	s28 =	rddreg [dreg:$0x9];
	[sflag:s20] =	ssyncadd.s32 $0xFFFFC000  }
0xcf: {  	[hbm4b:s28+s3] =	stream.linear.scatter [tilespmem:s29], [sflag:$0x8], $0x4000, $0x38;
	[tilespmem:$0x10200] =	vst v63  }
.LBB2_2:
0xd0: {  	_ =	swait.ge [sflag:s26], $0x4000  }
0xd1: {  	s25 =	rddreg [dreg:$0x4]  }
0xd2: {  	[sflag:s26] =	ssyncset.done $0x0;
	s25 =	sadd.s32 s24, s25  }
0xd3: {  	s17 =	simm.s32 $0x200;
	[sflag:s26] =	ssyncadd.s32 $0xFFFFC000;
	s29 =	sadd.s32 $0x2000, s25  }
0xd4: {  	[hbm4b:s29+s3] =	stream.linear.scatter [tilespmem:s17], [sflag:$0x5], $0x4000, $0x38;
	[tilespmem:$0x10200] =	vst v63  }
0xd5: {  	_ =	swait.ge [sflag:s11], $0x4000  }
0xd6: {  	[sflag:s11] =	ssyncset.done $0x0  }
0xd7: {  	[sflag:s11] =	ssyncadd.s32 $0xFFFFC000  }
0xd8: {  	v2 =	vld.msk [tilespmem:s23+$0xFFFFFFE8], $0xff;
	_ =	sdelay $0x4  }
0xd9: {  	v3 =	vshll.u32 v2, $0x4  }
0xda: {  	v2 =	vand.u32 $0x7, v2;
	v3 =	vand.u32 $0xFFFFFF80, v3  }
0xdb: {  	v2 =	vor.u32 v2, v3  }
0xdc: {  	v2 =	vperm.xlane v2, v0;
	_ =	sdelay $0x1  }
0xdd: {  	v2 =	vadd.s32 v1, v2;
	_ =	sdelay $0x3  }
0xde: {  	s13 =	simm.s32 $0xC200  }
0xdf: {  	[tilespmem:s13], [sflag:$0x4] =	stream.indirect_vreg.gather [hbm4b:s1+s3], $0x80, v2, vm0, $0xb8;
	[tilespmem:$0x10200] =	vst v63  }
0xe0: {  	s0 =	simm.s32 $0xCA00  }
0xe1: {  	[tilespmem:s0], [sflag:$0x4] =	stream.indirect_vreg.gather [hbm4b:s5+s3], $0x80, v2, vm0, $0xb8;
	[tilespmem:$0x10200] =	vst v63  }
0xe2: {  	s22 =	simm.s32 $0xD200  }
0xe3: {  	[tilespmem:s22], [sflag:$0x4] =	stream.indirect_vreg.gather [hbm4b:s6+s3], $0x80, v2, vm0, $0xb8;
	[tilespmem:$0x10200] =	vst v63  }
0xe4: {  	s29 =	simm.s32 $0xDA00  }
0xe5: {  	[tilespmem:s29], [sflag:$0x4] =	stream.indirect_vreg.gather [hbm4b:s7+s3], $0x80, v2, vm0, $0xb8;
	[tilespmem:$0x10200] =	vst v63  }
0xe6: {  	s22 =	simm.s32 $0xE200  }
0xe7: {  	[tilespmem:s22], [sflag:$0x4] =	stream.indirect_vreg.gather [hbm4b:s8+s3], $0x80, v2, vm0, $0xb8;
	[tilespmem:$0x10200] =	vst v63  }
0xe8: {  	s29 =	simm.s32 $0xEA00  }
0xe9: {  	[tilespmem:s29], [sflag:$0x4] =	stream.indirect_vreg.gather [hbm4b:s9+s3], $0x80, v2, vm0, $0xb8;
	[tilespmem:$0x10200] =	vst v63  }
0xea: {  	s22 =	simm.s32 $0xF200  }
0xeb: {  	[tilespmem:s22], [sflag:$0x4] =	stream.indirect_vreg.gather [hbm4b:s10+s3], $0x80, v2, vm0, $0xb8;
	[tilespmem:$0x10200] =	vst v63  }
0xec: {  	s29 =	simm.s32 $0xFA00  }
0xed: {  	[tilespmem:s29], [sflag:$0x4] =	stream.indirect_vreg.gather [hbm4b:s12+s3], $0x80, v2, vm0, $0xb8;
	[tilespmem:$0x10200] =	vst v63  }
0xee: {  	_ =	swait.ge [sflag:s14], $0x4000  }
0xef: {  	[sflag:s14] =	ssyncset.done $0x0  }
0xf0: {  	s28 =	simm.s32 $0x4200;
	s0 =	sadd.s32 $0x2800, s25;
	[sflag:s14] =	ssyncadd.s32 $0xFFFFC000  }
0xf1: {  	[hbm4b:s0+s3] =	stream.linear.scatter [tilespmem:s28], [sflag:$0x6], $0x4000, $0x38;
	[tilespmem:$0x10200] =	vst v63  }
0xf2: {  	_ =	swait.ge [sflag:s15], $0x4000  }
0xf3: {  	[sflag:s15] =	ssyncset.done $0x0  }
0xf4: {  	[sflag:s15] =	ssyncadd.s32 $0xFFFFC000  }
0xf5: {  	v2 =	vld.msk [tilespmem:s23+$0xFFFFFFF0], $0xff;
	_ =	sdelay $0x4  }
0xf6: {  	v3 =	vshll.u32 v2, $0x4  }
0xf7: {  	v2 =	vand.u32 $0x7, v2;
	v3 =	vand.u32 $0xFFFFFF80, v3  }
0xf8: {  	v2 =	vor.u32 v2, v3  }
0xf9: {  	v2 =	vperm.xlane v2, v0;
	_ =	sdelay $0x1  }
0xfa: {  	v2 =	vadd.s32 v1, v2;
	_ =	sdelay $0x4  }
0xfb: {  	[tilespmem:s17], [sflag:$0x1] =	stream.indirect_vreg.gather [hbm4b:s1+s3], $0x80, v2, vm0, $0xb8;
	[tilespmem:$0x10200] =	vst v63  }
0xfc: {  	_ = 	snop  }
0xfd: {  	[tilespmem:s30], [sflag:$0x1] =	stream.indirect_vreg.gather [hbm4b:s5+s3], $0x80, v2, vm0, $0xb8;
	[tilespmem:$0x10200] =	vst v63  }
0xfe: {  	_ = 	snop  }
0xff: {  	[tilespmem:s31], [sflag:$0x1] =	stream.indirect_vreg.gather [hbm4b:s6+s3], $0x80, v2, vm0, $0xb8;
	[tilespmem:$0x10200] =	vst v63  }
0x100: {  	s22 =	simm.s32 $0x1A00  }
0x101: {  	[tilespmem:s22], [sflag:$0x1] =	stream.indirect_vreg.gather [hbm4b:s7+s3], $0x80, v2, vm0, $0xb8;
	[tilespmem:$0x10200] =	vst v63  }
0x102: {  	_ = 	snop  }
0x103: {  	[tilespmem:s21], [sflag:$0x1] =	stream.indirect_vreg.gather [hbm4b:s8+s3], $0x80, v2, vm0, $0xb8;
	[tilespmem:$0x10200] =	vst v63  }
0x104: {  	s29 =	simm.s32 $0x2A00  }
0x105: {  	[tilespmem:s29], [sflag:$0x1] =	stream.indirect_vreg.gather [hbm4b:s9+s3], $0x80, v2, vm0, $0xb8;
	[tilespmem:$0x10200] =	vst v63  }
0x106: {  	s22 =	simm.s32 $0x3200  }
0x107: {  	[tilespmem:s22], [sflag:$0x1] =	stream.indirect_vreg.gather [hbm4b:s10+s3], $0x80, v2, vm0, $0xb8;
	[tilespmem:$0x10200] =	vst v63  }
0x108: {  	s29 =	simm.s32 $0x3A00  }
0x109: {  	[tilespmem:s29], [sflag:$0x1] =	stream.indirect_vreg.gather [hbm4b:s12+s3], $0x80, v2, vm0, $0xb8;
	[tilespmem:$0x10200] =	vst v63  }
0x10a: {  	_ =	swait.ge [sflag:s16], $0x4000  }
0x10b: {  	[sflag:s16] =	ssyncset.done $0x0  }
0x10c: {  	s17 =	sadd.s32 $0x3000, s25;
	s22 =	simm.s32 $0x8200;
	[sflag:s16] =	ssyncadd.s32 $0xFFFFC000  }
0x10d: {  	[hbm4b:s17+s3] =	stream.linear.scatter [tilespmem:s22], [sflag:$0x7], $0x4000, $0x38;
	[tilespmem:$0x10200] =	vst v63  }
0x10e: {  	_ =	swait.ge [sflag:s18], $0x4000  }
0x10f: {  	[sflag:s18] =	ssyncset.done $0x0  }
0x110: {  	[sflag:s18] =	ssyncadd.s32 $0xFFFFC000  }
0x111: {  	v2 =	vld.msk [tilespmem:s23+$0xFFFFFFF8], $0xff;
	_ =	sdelay $0x4  }
0x112: {  	v3 =	vshll.u32 v2, $0x4  }
0x113: {  	v2 =	vand.u32 $0x7, v2;
	v3 =	vand.u32 $0xFFFFFF80, v3  }
0x114: {  	v2 =	vor.u32 v2, v3  }
0x115: {  	v2 =	vperm.xlane v2, v0;
	_ =	sdelay $0x1  }
0x116: {  	v2 =	vadd.s32 v1, v2;
	_ =	sdelay $0x4  }
0x117: {  	[tilespmem:s28], [sflag:$0x2] =	stream.indirect_vreg.gather [hbm4b:s1+s3], $0x80, v2, vm0, $0xb8;
	[tilespmem:$0x10200] =	vst v63  }
0x118: {  	s28 =	simm.s32 $0x4A00  }
0x119: {  	[tilespmem:s28], [sflag:$0x2] =	stream.indirect_vreg.gather [hbm4b:s5+s3], $0x80, v2, vm0, $0xb8;
	[tilespmem:$0x10200] =	vst v63  }
0x11a: {  	_ = 	snop  }
0x11b: {  	[tilespmem:s2], [sflag:$0x2] =	stream.indirect_vreg.gather [hbm4b:s6+s3], $0x80, v2, vm0, $0xb8;
	[tilespmem:$0x10200] =	vst v63  }
0x11c: {  	_ = 	snop  }
0x11d: {  	[tilespmem:s4], [sflag:$0x2] =	stream.indirect_vreg.gather [hbm4b:s7+s3], $0x80, v2, vm0, $0xb8;
	[tilespmem:$0x10200] =	vst v63  }
0x11e: {  	s29 =	simm.s32 $0x6200  }
0x11f: {  	[tilespmem:s29], [sflag:$0x2] =	stream.indirect_vreg.gather [hbm4b:s8+s3], $0x80, v2, vm0, $0xb8;
	[tilespmem:$0x10200] =	vst v63  }
0x120: {  	s29 =	simm.s32 $0x6A00  }
0x121: {  	[tilespmem:s29], [sflag:$0x2] =	stream.indirect_vreg.gather [hbm4b:s9+s3], $0x80, v2, vm0, $0xb8;
	[tilespmem:$0x10200] =	vst v63  }
0x122: {  	s29 =	simm.s32 $0x7200  }
0x123: {  	[tilespmem:s29], [sflag:$0x2] =	stream.indirect_vreg.gather [hbm4b:s10+s3], $0x80, v2, vm0, $0xb8;
	[tilespmem:$0x10200] =	vst v63  }
0x124: {  	s29 =	simm.s32 $0x7A00  }
0x125: {  	[tilespmem:s29], [sflag:$0x2] =	stream.indirect_vreg.gather [hbm4b:s12+s3], $0x80, v2, vm0, $0xb8;
	[tilespmem:$0x10200] =	vst v63  }
0x126: {  	_ =	swait.ge [sflag:s20], $0x4000  }
0x127: {  	[sflag:s20] =	ssyncset.done $0x0  }
0x128: {  	s25 =	sadd.s32 $0x3800, s25;
	[sflag:s20] =	ssyncadd.s32 $0xFFFFC000  }
0x129: {  	[hbm4b:s25+s3] =	stream.linear.scatter [tilespmem:s13], [sflag:$0x8], $0x4000, $0x38;
	[tilespmem:$0x10200] =	vst v63  }
0x12a: {  	_ =	swait.ge [sflag:s19], $0x4000  }
0x12b: {  	[sflag:s19] =	ssyncset.done $0x0  }
0x12c: {  	[sflag:s19] =	ssyncadd.s32 $0xFFFFC000  }
0x12d: {  	v2 =	vld.msk [tilespmem:s23+$0x0], $0xff;
	_ =	sdelay $0x4  }
0x12e: {  	v3 =	vshll.u32 v2, $0x4  }
0x12f: {  	v2 =	vand.u32 $0x7, v2;
	v3 =	vand.u32 $0xFFFFFF80, v3  }
0x130: {  	v2 =	vor.u32 v2, v3  }
0x131: {  	v2 =	vperm.xlane v2, v0;
	_ =	sdelay $0x1  }
0x132: {  	v2 =	vadd.s32 v1, v2;
	_ =	sdelay $0x4  }
0x133: {  	[tilespmem:s22], [sflag:$0x3] =	stream.indirect_vreg.gather [hbm4b:s1+s3], $0x80, v2, vm0, $0xb8;
	[tilespmem:$0x10200] =	vst v63  }
0x134: {  	s29 =	simm.s32 $0x8A00  }
0x135: {  	[tilespmem:s29], [sflag:$0x3] =	stream.indirect_vreg.gather [hbm4b:s5+s3], $0x80, v2, vm0, $0xb8;
	[tilespmem:$0x10200] =	vst v63  }
0x136: {  	s22 =	simm.s32 $0x9200  }
0x137: {  	[tilespmem:s22], [sflag:$0x3] =	stream.indirect_vreg.gather [hbm4b:s6+s3], $0x80, v2, vm0, $0xb8;
	[tilespmem:$0x10200] =	vst v63  }
0x138: {  	s29 =	simm.s32 $0x9A00  }
0x139: {  	[tilespmem:s29], [sflag:$0x3] =	stream.indirect_vreg.gather [hbm4b:s7+s3], $0x80, v2, vm0, $0xb8;
	[tilespmem:$0x10200] =	vst v63  }
0x13a: {  	s22 =	simm.s32 $0xA200  }
0x13b: {  	[tilespmem:s22], [sflag:$0x3] =	stream.indirect_vreg.gather [hbm4b:s8+s3], $0x80, v2, vm0, $0xb8;
	[tilespmem:$0x10200] =	vst v63  }
0x13c: {  	p0 =	sne.s32 s24, $0x1A000;
	s29 =	simm.s32 $0xAA00  }
0x13d: {  	[tilespmem:s29], [sflag:$0x3] =	stream.indirect_vreg.gather [hbm4b:s9+s3], $0x80, v2, vm0, $0xb8;
	[tilespmem:$0x10200] =	vst v63  }
.Ltmp0:
0x13e: {  	s24 =	sadd.s32 $0x2000, s24;
	(pc) =	sbr.rel @p0 .LBB2_2-.Ltmp0, $4  }
0x13f: {  	s0 =	simm.s32 $0x200;
	s17 =	simm.s32 $0x4200;
	s22 =	simm.s32 $0xB200  }
0x140: {  	[tilespmem:s22], [sflag:$0x3] =	stream.indirect_vreg.gather [hbm4b:s10+s3], $0x80, v2, vm0, $0xb8;
	[tilespmem:$0x10200] =	vst v63  }
0x141: {  	s25 =	simm.s32 $0x8200;
	s23 =	sadd.s32 $0x20, s23;
	s29 =	simm.s32 $0xBA00  }
0x142: {  	[tilespmem:s29], [sflag:$0x3] =	stream.indirect_vreg.gather [hbm4b:s12+s3], $0x80, v2, vm0, $0xb8;
	[tilespmem:$0x10200] =	vst v63  }
0x143: {  	_ =	swait.ge [sflag:s26], $0x4000  }
0x144: {  	[sflag:s26] =	ssyncset.done $0x0  }
0x145: {  	s23 =	rddreg [dreg:$0xa];
	[sflag:s26] =	ssyncadd.s32 $0xFFFFC000  }
0x146: {  	[hbm4b:s23+s3] =	stream.linear.scatter [tilespmem:s0], [sflag:$0x5], $0x4000, $0x38;
	[tilespmem:$0x10200] =	vst v63  }
0x147: {  	_ =	swait.ge [sflag:s11], $0x4000  }
0x148: {  	[sflag:s11] =	ssyncset.done $0x0  }
0x149: {  	[sflag:s11] =	ssyncadd.s32 $0xFFFFC000  }
0x14a: {  	v2 =	vld.msk [tilespmem:$0x1F8], $0xff;
	_ =	sdelay $0x4  }
0x14b: {  	v3 =	vshll.u32 v2, $0x4  }
0x14c: {  	v2 =	vand.u32 $0x7, v2;
	v3 =	vand.u32 $0xFFFFFF80, v3  }
0x14d: {  	v2 =	vor.u32 v2, v3  }
0x14e: {  	v2 =	vperm.xlane v2, v0;
	_ =	sdelay $0x1  }
0x14f: {  	v2 =	vadd.s32 v1, v2;
	_ =	sdelay $0x3  }
0x150: {  	s0 =	simm.s32 $0xC200  }
0x151: {  	[tilespmem:s0], [sflag:$0x4] =	stream.indirect_vreg.gather [hbm4b:s1+s3], $0x80, v2, vm0, $0xb8;
	[tilespmem:$0x10200] =	vst v63  }
0x152: {  	s2 =	simm.s32 $0xCA00  }
0x153: {  	[tilespmem:s2], [sflag:$0x4] =	stream.indirect_vreg.gather [hbm4b:s5+s3], $0x80, v2, vm0, $0xb8;
	[tilespmem:$0x10200] =	vst v63  }
0x154: {  	s13 =	simm.s32 $0xD200  }
0x155: {  	[tilespmem:s13], [sflag:$0x4] =	stream.indirect_vreg.gather [hbm4b:s6+s3], $0x80, v2, vm0, $0xb8;
	[tilespmem:$0x10200] =	vst v63  }
0x156: {  	s21 =	simm.s32 $0xDA00  }
0x157: {  	[tilespmem:s21], [sflag:$0x4] =	stream.indirect_vreg.gather [hbm4b:s7+s3], $0x80, v2, vm0, $0xb8;
	[tilespmem:$0x10200] =	vst v63  }
0x158: {  	s22 =	simm.s32 $0xE200  }
0x159: {  	[tilespmem:s22], [sflag:$0x4] =	stream.indirect_vreg.gather [hbm4b:s8+s3], $0x80, v2, vm0, $0xb8;
	[tilespmem:$0x10200] =	vst v63  }
0x15a: {  	s23 =	simm.s32 $0xEA00  }
0x15b: {  	[tilespmem:s23], [sflag:$0x4] =	stream.indirect_vreg.gather [hbm4b:s9+s3], $0x80, v2, vm0, $0xb8;
	[tilespmem:$0x10200] =	vst v63  }
0x15c: {  	s24 =	simm.s32 $0xF200  }
0x15d: {  	[tilespmem:s24], [sflag:$0x4] =	stream.indirect_vreg.gather [hbm4b:s10+s3], $0x80, v2, vm0, $0xb8;
	[tilespmem:$0x10200] =	vst v63  }
0x15e: {  	s4 =	simm.s32 $0xFA00  }
0x15f: {  	[tilespmem:s4], [sflag:$0x4] =	stream.indirect_vreg.gather [hbm4b:s12+s3], $0x80, v2, vm0, $0xb8;
	[tilespmem:$0x10200] =	vst v63  }
0x160: {  	_ =	swait.ge [sflag:s14], $0x4000  }
0x161: {  	[sflag:s14] =	ssyncset.done $0x0  }
0x162: {  	s13 =	rddreg [dreg:$0xb];
	[sflag:s14] =	ssyncadd.s32 $0xFFFFC000  }
0x163: {  	[hbm4b:s13+s3] =	stream.linear.scatter [tilespmem:s17], [sflag:$0x6], $0x4000, $0x38;
	[tilespmem:$0x10200] =	vst v63  }
0x164: {  	_ =	swait.ge [sflag:s16], $0x4000  }
0x165: {  	[sflag:s16] =	ssyncset.done $0x0  }
0x166: {  	s21 =	rddreg [dreg:$0xc];
	[sflag:s16] =	ssyncadd.s32 $0xFFFFC000  }
0x167: {  	[hbm4b:s21+s3] =	stream.linear.scatter [tilespmem:s25], [sflag:$0x7], $0x4000, $0x38;
	[tilespmem:$0x10200] =	vst v63  }
0x168: {  	_ =	swait.ge [sflag:s20], $0x4000  }
0x169: {  	[sflag:s20] =	ssyncset.done $0x0  }
0x16a: {  	s22 =	rddreg [dreg:$0xd];
	[sflag:s20] =	ssyncadd.s32 $0xFFFFC000  }
0x16b: {  	[hbm4b:s22+s3] =	stream.linear.scatter [tilespmem:s0], [sflag:$0x8], $0x4000, $0x38;
	[tilespmem:$0x10200] =	vst v63  }
0x16c: {  	_ =	swait.ge [sflag:s15], $0x4000  }
0x16d: {  	[sflag:s15] =	ssyncset.done $0x0  }
0x16e: {  	[sflag:s15] =	ssyncadd.s32 $0xFFFFC000  }
0x16f: {  	_ =	swait.ge [sflag:s18], $0x4000  }
0x170: {  	[sflag:s18] =	ssyncset.done $0x0  }
0x171: {  	[sflag:s18] =	ssyncadd.s32 $0xFFFFC000  }
0x172: {  	_ =	swait.ge [sflag:s19], $0x4000  }
0x173: {  	[sflag:s19] =	ssyncset.done $0x0  }
0x174: {  	[sflag:s19] =	ssyncadd.s32 $0xFFFFC000  }
0x175: {  	_ =	swait.ge [sflag:s11], $0x4000  }
0x176: {  	s24 =	rddreg [dreg:$0xf]  }
0x177: {  	s25 =	rddreg [dreg:$0xe];
	s0 =	sadd.s32 $0x1, s24  }
0x178: {  	p0 =	sne.s32 s0, s25  }
.Ltmp1:
0x179: {  	_ = 	snop;
	(pc) =	sbr.rel @p0 .LBB2_1-.Ltmp1, $4  }
0x17a: {  	s29 =	simm.s32 $0x1200;
	s30 =	simm.s32 $0x1A00  }
0x17b: {  	s31 =	simm.s32 $0x5A00;
	s2 =	simm.s32 $0x2200;
	s4 =	simm.s32 $0x3200  }
0x17c: {  	s13 =	simm.s32 $0x3A00;
	s17 =	simm.s32 $0x5200;
	[sflag:s11] =	ssyncset.done $0x0  }
0x17d: {  	s21 =	simm.s32 $0x2A00;
	[sflag:s11] =	ssyncadd.s32 $0xFFFFC000;
	s25 =	simm.s32 $0xA00  }
0x17e: {  	_ =	sfence.sel $0x180000  }
0x17f: {  	[bflag:$0x0] =	sbarrier.arrive $0xFFFF  }
0x180: {  	_ =	strace $0x90000047  }
0x181: {  	s0 =	stileid.u32;
	[bflag:$0x2] =	sbarrier.arrive $0xFFFF  }
0x182: {  	p0 =	sne.s32 s0, $0x0;
	s0 =	rddreg [dreg:$0x3]  }
0x183: {  	s0 =	sadd.s32 @!p0 $0x100000, s0  }
0x184: {  	[sflag:s0] =	ssyncadd.tile.s32 @!p0 $0x1;
	_ =	shalt  }
.Lfunc_end2:
_tile_overlayer_lowered:
.L_overlay_start_2:
0x185: {  	(tag) =	ssettag $0x2  }
0x186: {  	s0 =	rddreg [dreg:$0x0];
	s2 =	stileid.u32  }
0x187: {  	s1 =	rddreg [dreg:$0x1];
	p0 =	sne.s32 s2, $0x0  }
0x188: {  	s3 =	rddreg [dreg:$0x2];
	[bflag:$0x3] =	sbarrier.arrive $0xFFFF;
	s2 =	simm.s32 @!p0 $0x1C09  }
0x189: {  	[timem:s3], [sflag:s2] =	dma.local @!p0 [hbm:s0], s1  }
0x18a: {  	s0 =	simm.s32 @!p0 $0x9  }
0x18b: {  	_ =	swait.ge @!p0 [sflag:s0], s1  }
0x18c: {  	s1 =	ssub.s32 @!p0 $0x0, s1;
	[sflag:s0] =	ssyncset.done @!p0 $0x0  }
0x18d: {  	[sflag:s0] =	ssyncadd.s32 @!p0 s1  }
0x18e: {  	[bflag:$0x3] =	sbarrier.arrive $0xFFFF  }
0x18f: {  	_ =	shalt  }

</sc_bundles>
